<compile_context>
chip_gen: v7x
topology: tpu7x:2x2x1
jax: 0.10.2.dev20260603
libtpu: 0.0.44.dev20260713+nightly
codegen_flags: <defaults>
</compile_context>

<pallas_src>
import jax
import jax.numpy as jnp
from jax import lax
from jax.experimental import pallas as pl
from jax.experimental.pallas import tpu as pltpu, tpu_sc as plsc

SIZE = 16777216
GROUP_SIZE = 4
TEMP_INIT = 1.0
TEMP_FINAL = 0.1
ANNEAL_STEPS = 10000

CHUNK = 16384
NBUF = 2
TILE = 512
LANES = 16


def _temperature(step):
    step_f = jnp.maximum(jnp.asarray(step), 0).astype(jnp.float32)
    frac = jnp.minimum(jnp.float32(1.0), step_f / jnp.float32(ANNEAL_STEPS))
    t = jnp.float32(TEMP_INIT) + frac * (jnp.float32(TEMP_FINAL) - jnp.float32(TEMP_INIT))
    return jnp.maximum(t, jnp.float32(1e-06))


def _compute_chunk(in_v, out_v, tv):
    qi = 4 * lax.iota(jnp.int32, LANES)
    one = jnp.full((LANES,), 1.0, dtype=jnp.float32)
    zero = jnp.full((LANES,), 0.0, dtype=jnp.float32)

    def maj(a, b, c):
        return (a & b) | (c & (a | b))

    step64 = jnp.full((LANES,), 64, dtype=jnp.int32)
    carry0 = (qi, qi + 1, qi + 2, qi + 3)

    @plsc.parallel_loop(0, CHUNK // (4 * LANES), unroll=8, carry=carry0)
    def blk(i, c):
        i0, i1, i2, i3 = c
        off = (i // 8) * TILE + (i % 8) * LANES
        v0 = in_v[pl.ds(off, LANES)] / tv
        v1 = in_v[pl.ds(off + 128, LANES)] / tv
        v2 = in_v[pl.ds(off + 256, LANES)] / tv
        v3 = in_v[pl.ds(off + 384, LANES)] / tv
        b01 = v0 >= v1
        b02 = v0 >= v2
        b03 = v0 >= v3
        b12 = v1 >= v2
        b13 = v1 >= v3
        b23 = v2 >= v3
        m0 = maj(b01, b02, b03)
        m1 = maj(~b01, b12, b13)
        m2 = maj(~b02, ~b12, b23)
        m3 = ~maj(b03, b13, b23)
        plsc.store_scatter(out_v, [i0], jnp.where(m0, one, zero))
        plsc.store_scatter(out_v, [i1], jnp.where(m1, one, zero))
        plsc.store_scatter(out_v, [i2], jnp.where(m2, one, zero))
        plsc.store_scatter(out_v, [i3], jnp.where(m3, one, zero))
        return (i0 + step64, i1 + step64, i2 + step64, i3 + step64)


def _sc_topk_mask(flat, tvec):
    info = plsc.get_sparse_core_info()
    nc, ns = info.num_cores, info.num_subcores
    nw = nc * ns
    per_w = SIZE // nw
    nch = per_w // CHUNK
    quads = nch // NBUF
    mesh = plsc.VectorSubcoreMesh(core_axis_name="c", subcore_axis_name="s")

    def body(*refs):
        x_hbm, t_hbm, out_hbm = refs[:3]
        inb = refs[3:3 + NBUF]
        outb = refs[3 + NBUF:3 + 2 * NBUF]
        t_v = refs[3 + 2 * NBUF]
        sems = refs[4 + 2 * NBUF:]
        sin = sems[:NBUF]
        sout = sems[NBUF:]
        wid = lax.axis_index("s") * nc + lax.axis_index("c")
        base = wid * per_w
        pltpu.sync_copy(t_hbm, t_v)
        tv = t_v[...]

        def in_slice(g):
            return x_hbm.at[pl.ds(base + g * CHUNK, CHUNK)]

        def out_slice(g):
            return out_hbm.at[pl.ds(base + g * CHUNK, CHUNK)]

        for b in range(NBUF):
            pltpu.async_copy(in_slice(b), inb[b], sin[b])

        for b in range(NBUF):
            pltpu.make_async_copy(in_slice(b), inb[b], sin[b]).wait()
            _compute_chunk(inb[b], outb[b], tv)
            pltpu.async_copy(outb[b], out_slice(b), sout[b])
            pltpu.async_copy(in_slice(NBUF + b), inb[b], sin[b])

        def quad(q, carry):
            g0 = NBUF * q
            for b in range(NBUF):
                pltpu.make_async_copy(in_slice(g0 + b), inb[b], sin[b]).wait()
                pltpu.make_async_copy(outb[b], out_slice(g0 + b), sout[b]).wait()
                _compute_chunk(inb[b], outb[b], tv)
                pltpu.async_copy(outb[b], out_slice(g0 + b), sout[b])
                pltpu.async_copy(in_slice(g0 + NBUF + b), inb[b], sin[b])
            return carry

        lax.fori_loop(1, quads - 1, quad, 0)

        g0 = NBUF * (quads - 1)
        for b in range(NBUF):
            pltpu.make_async_copy(in_slice(g0 + b), inb[b], sin[b]).wait()
            pltpu.make_async_copy(outb[b], out_slice(g0 + b), sout[b]).wait()
            _compute_chunk(inb[b], outb[b], tv)
            pltpu.async_copy(outb[b], out_slice(g0 + b), sout[b])
        for b in range(NBUF):
            pltpu.make_async_copy(outb[b], out_slice(g0 + b), sout[b]).wait()

    call = pl.kernel(
        body,
        out_type=jax.ShapeDtypeStruct((SIZE,), jnp.float32),
        mesh=mesh,
        compiler_params=pltpu.CompilerParams(needs_layout_passes=False),
        scratch_types=(
            [pltpu.VMEM((CHUNK,), jnp.float32)] * (2 * NBUF)
            + [pltpu.VMEM((LANES,), jnp.float32)]
            + [pltpu.SemaphoreType.DMA] * (2 * NBUF)
        ),
    )
    return call(flat, tvec)


def kernel(logits, step=0, sample=0):
    x = logits.reshape(SIZE // (4 * 128), 128, 4)
    x = jnp.swapaxes(x, 1, 2)
    flat = x.reshape(-1)
    tvec = jnp.full((LANES,), _temperature(step), dtype=jnp.float32)
    return _sc_topk_mask(flat, tvec)

# --- scband reference (transcript-rebuilt; emitter-appended) ---
"""Pipeline reference for scband-top-kmasker-13623636263496 (READ-ONLY COPY).

The authoritative reference and input builder live on the scoring server;
editing this copy changes nothing except your own understanding.
"""

import jax, jax.numpy as jnp
import numpy as np

SIZE = 16777216
GROUP_SIZE = 4
ACTIVE = 2
GROUP_COUNT = SIZE // GROUP_SIZE
TEMP_INIT = 1.0
TEMP_FINAL = 0.1
ANNEAL_STEPS = 10000


def current_temperature(step):
    step = jnp.maximum(jnp.asarray(step), 0).astype(jnp.float32)
    if ANNEAL_STEPS <= 0:
        return jnp.float32(TEMP_FINAL)
    frac = jnp.minimum(jnp.float32(1.0), step / jnp.float32(ANNEAL_STEPS))
    return jnp.float32(TEMP_INIT) + frac * (jnp.float32(TEMP_FINAL) - jnp.float32(TEMP_INIT))


def setup_inputs(seed: int = 0) -> dict:
    key = jax.random.key(seed)
    # learned parameter (torch inits to zeros; use small randn so top-k is non-degenerate)
    logits = jax.random.normal(key, (GROUP_COUNT, GROUP_SIZE), dtype=jnp.float32) * 0.02
    return {"logits": logits, "step": 0, "sample": 0}


def reference(logits, step=0, sample=0):
    # deterministic path (sample=False / eval mode)
    temperature = jnp.maximum(current_temperature(step), jnp.float32(1e-06))
    scores = logits / temperature
    _, topk_idx = jax.lax.top_k(scores, ACTIVE)
    row_idx = jnp.arange(GROUP_COUNT, dtype=jnp.int32)[:, None]
    mask_hard = jnp.zeros_like(logits).at[row_idx, topk_idx].set(1.0)
    probs = jax.nn.softmax(logits / temperature, axis=-1)
    mask = mask_hard + probs - jax.lax.stop_gradient(probs)
    return mask.reshape(-1)

if __name__ == "__main__":
    import jax
    _d = setup_inputs()
    print(jax.jit(kernel)(*tuple(_d.values())))

</pallas_src>

<mosaic_0001>
#map = affine_map<(d0, d1) -> (0)>
module attributes {stable_mosaic.version = 14 : i64} {
  func.func @body(%arg0: i32, %arg1: i32, %arg2: memref<16777216xf32, #tpu.memory_space<hbm>>, %arg3: memref<16xf32, #tpu.memory_space<hbm>>, %arg4: memref<16777216xf32, #tpu.memory_space<hbm>>, %arg5: memref<16384xf32, #tpu.memory_space<vmem>>, %arg6: memref<16384xf32, #tpu.memory_space<vmem>>, %arg7: memref<16384xf32, #tpu.memory_space<vmem>>, %arg8: memref<16384xf32, #tpu.memory_space<vmem>>, %arg9: memref<16xf32, #tpu.memory_space<vmem>>, %arg10: memref<!tpu.dma_semaphore, #tpu.memory_space<semaphore_mem>>, %arg11: memref<!tpu.dma_semaphore, #tpu.memory_space<semaphore_mem>>, %arg12: memref<!tpu.dma_semaphore, #tpu.memory_space<semaphore_mem>>, %arg13: memref<!tpu.dma_semaphore, #tpu.memory_space<semaphore_mem>>) attributes {dimension_semantics = [#tpu.dimension_semantics<core_parallel>, #tpu.dimension_semantics<subcore_parallel>], iteration_bounds = array<i64: 2, 16>, scalar_prefetch = 0 : i64, scratch_operands = 9 : i64, tpu.core_type = #tpu.core_type<sc_vector_subcore>, window_params = [{transform_indices = #map}, {transform_indices = #map}, {transform_indices = #map}]} {
    %mul3A = arith.constant 2 : i32
    %mul3A_0 = arith.muli %arg1, %mul3A : i32
    %add3A = arith.addi %mul3A_0, %arg0 : i32
    %mul3A_1 = arith.constant 524288 : i32
    %mul3A_2 = arith.muli %add3A, %mul3A_1 : i32
    "tpu.region"() ({
      %run_scoped3A = tpu.sem_alloc : memref<!tpu.dma_semaphore, #tpu.memory_space<semaphore_mem>>
      tpu.enqueue_dma source(%arg3 : memref<16xf32, #tpu.memory_space<hbm>>) target(%arg9 : memref<16xf32, #tpu.memory_space<vmem>>) target_semaphore(%run_scoped3A : memref<!tpu.dma_semaphore, #tpu.memory_space<semaphore_mem>>)
      tpu.wait_dma2 semaphore(%run_scoped3A : memref<!tpu.dma_semaphore, #tpu.memory_space<semaphore_mem>>) src(%arg3 : memref<16xf32, #tpu.memory_space<hbm>>) dst(%arg9 : memref<16xf32, #tpu.memory_space<vmem>>)
      tpu.yield
    }) : () -> ()
    %get3A = arith.constant 0 : index
    %get3A_3 = tpu.vector_load %arg9[%get3A] {strides = array<i32>} : memref<16xf32, #tpu.memory_space<vmem>>, vector<16xf32>,
    %add3A_4 = arith.constant 0 : i32
    %add3A_5 = arith.addi %mul3A_2, %add3A_4 : i32
    %dma_start3A = tpu.memref_slice %arg2[%add3A_5] : memref<16777216xf32, #tpu.memory_space<hbm>> -> memref<16384xf32, #tpu.memory_space<hbm>>
    %dma_start3A_6 = tpu.memref_slice %arg2[%add3A_5] : memref<16777216xf32, #tpu.memory_space<hbm>> -> memref<16384xf32, #tpu.memory_space<hbm>>
    tpu.enqueue_dma source(%dma_start3A_6 : memref<16384xf32, #tpu.memory_space<hbm>>) target(%arg5 : memref<16384xf32, #tpu.memory_space<vmem>>) target_semaphore(%arg10 : memref<!tpu.dma_semaphore, #tpu.memory_space<semaphore_mem>>)
    %add3A_7 = arith.constant 16384 : i32
    %add3A_8 = arith.addi %mul3A_2, %add3A_7 : i32
    %dma_start3A_9 = tpu.memref_slice %arg2[%add3A_8] : memref<16777216xf32, #tpu.memory_space<hbm>> -> memref<16384xf32, #tpu.memory_space<hbm>>
    %dma_start3A_10 = tpu.memref_slice %arg2[%add3A_8] : memref<16777216xf32, #tpu.memory_space<hbm>> -> memref<16384xf32, #tpu.memory_space<hbm>>
    tpu.enqueue_dma source(%dma_start3A_10 : memref<16384xf32, #tpu.memory_space<hbm>>) target(%arg6 : memref<16384xf32, #tpu.memory_space<vmem>>) target_semaphore(%arg11 : memref<!tpu.dma_semaphore, #tpu.memory_space<semaphore_mem>>)
    %add3A_11 = arith.constant 0 : i32
    %add3A_12 = arith.addi %mul3A_2, %add3A_11 : i32
    %dma_wait3A = tpu.memref_slice %arg2[%add3A_12] : memref<16777216xf32, #tpu.memory_space<hbm>> -> memref<16384xf32, #tpu.memory_space<hbm>>
    %dma_wait3A_13 = tpu.memref_slice %arg2[%add3A_12] : memref<16777216xf32, #tpu.memory_space<hbm>> -> memref<16384xf32, #tpu.memory_space<hbm>>
    tpu.wait_dma2 semaphore(%arg10 : memref<!tpu.dma_semaphore, #tpu.memory_space<semaphore_mem>>) src(%dma_wait3A_13 : memref<16384xf32, #tpu.memory_space<hbm>>) dst(%arg5 : memref<16384xf32, #tpu.memory_space<vmem>>)
    %iota3A = tpu.iota {dimensions = array<i32: 0>} : vector<16xi32>
    %mul3A_14 = arith.constant 4 : i32
    %mul3A_15 = vector.broadcast %mul3A_14 : i32 to vector<16xi32>
    %mul3A_16 = arith.muli %mul3A_15, %iota3A : vector<16xi32>
    %broadcast_in_dim3A = arith.constant 1.000000e+00 : f32
    %broadcast_in_dim3A_17 = vector.broadcast %broadcast_in_dim3A : f32 to vector<16xf32>
    %broadcast_in_dim3A_18 = arith.constant 0.000000e+00 : f32
    %broadcast_in_dim3A_19 = vector.broadcast %broadcast_in_dim3A_18 : f32 to vector<16xf32>
    %broadcast_in_dim3A_20 = arith.constant 64 : i32
    %broadcast_in_dim3A_21 = vector.broadcast %broadcast_in_dim3A_20 : i32 to vector<16xi32>
    %add3A_22 = arith.constant 1 : i32
    %add3A_23 = vector.broadcast %add3A_22 : i32 to vector<16xi32>
    %add3A_24 = arith.addi %mul3A_16, %add3A_23 : vector<16xi32>
    %add3A_25 = arith.constant 2 : i32
    %add3A_26 = vector.broadcast %add3A_25 : i32 to vector<16xi32>
    %add3A_27 = arith.addi %mul3A_16, %add3A_26 : vector<16xi32>
    %add3A_28 = arith.constant 3 : i32
    %add3A_29 = vector.broadcast %add3A_28 : i32 to vector<16xi32>
    %add3A_30 = arith.addi %mul3A_16, %add3A_29 : vector<16xi32>
    %parallel_loop3A = arith.constant 0 : i32
    %parallel_loop3A_31 = arith.constant 256 : i32
    %parallel_loop3A_32 = arith.constant 1 : i32
    %parallel_loop3A_33:4 = scf.for %parallel_loop3A_160 = %parallel_loop3A to %parallel_loop3A_31 step %parallel_loop3A_32 iter_args(%parallel_loop3A_161 = %mul3A_16, %parallel_loop3A_162 = %add3A_24, %parallel_loop3A_163 = %add3A_27, %parallel_loop3A_164 = %add3A_30) -> (vector<16xi32>, vector<16xi32>, vector<16xi32>, vector<16xi32>)  : i32 {
      %parallel_loop3A_165 = arith.constant 8 : i32
      %parallel_loop3A_166 = arith.divsi %parallel_loop3A_160, %parallel_loop3A_165 : i32
      %parallel_loop3A_167 = arith.constant 0 : i32
      %parallel_loop3A_168 = arith.cmpi sgt, %parallel_loop3A_160, %parallel_loop3A_167 : i32
      %parallel_loop3A_169 = arith.extui %parallel_loop3A_168 : i1 to i32
      %parallel_loop3A_170 = arith.constant 0 : i32
      %parallel_loop3A_171 = arith.cmpi slt, %parallel_loop3A_160, %parallel_loop3A_170 : i32
      %parallel_loop3A_172 = arith.extui %parallel_loop3A_171 : i1 to i32
      %parallel_loop3A_173 = arith.subi %parallel_loop3A_169, %parallel_loop3A_172 : i32
      %parallel_loop3A_174 = arith.constant 0 : i32
      %parallel_loop3A_175 = arith.cmpi sgt, %parallel_loop3A_165, %parallel_loop3A_174 : i32
      %parallel_loop3A_176 = arith.extui %parallel_loop3A_175 : i1 to i32
      %parallel_loop3A_177 = arith.constant 0 : i32
      %parallel_loop3A_178 = arith.cmpi slt, %parallel_loop3A_165, %parallel_loop3A_177 : i32
      %parallel_loop3A_179 = arith.extui %parallel_loop3A_178 : i1 to i32
      %parallel_loop3A_180 = arith.subi %parallel_loop3A_176, %parallel_loop3A_179 : i32
      %parallel_loop3A_181 = arith.cmpi ne, %parallel_loop3A_173, %parallel_loop3A_180 : i32
      %parallel_loop3A_182 = arith.remsi %parallel_loop3A_160, %parallel_loop3A_165 : i32
      %parallel_loop3A_183 = arith.constant 0 : i32
      %parallel_loop3A_184 = arith.cmpi ne, %parallel_loop3A_182, %parallel_loop3A_183 : i32
      %parallel_loop3A_185 = arith.andi %parallel_loop3A_181, %parallel_loop3A_184 : i1
      %parallel_loop3A_186 = arith.constant 1 : i32
      %parallel_loop3A_187 = arith.subi %parallel_loop3A_166, %parallel_loop3A_186 : i32
      %parallel_loop3A_188 = arith.select %parallel_loop3A_185, %parallel_loop3A_187, %parallel_loop3A_166 : i32
      %parallel_loop3A_189 = arith.constant 512 : i32
      %parallel_loop3A_190 = arith.muli %parallel_loop3A_188, %parallel_loop3A_189 : i32
      %parallel_loop3A_191 = arith.constant 8 : i32
      %parallel_loop3A_192 = arith.constant 0 : i32
      %parallel_loop3A_193 = arith.cmpi eq, %parallel_loop3A_191, %parallel_loop3A_192 : i32
      %parallel_loop3A_194 = arith.constant 1 : i32
      %parallel_loop3A_195 = arith.select %parallel_loop3A_193, %parallel_loop3A_194, %parallel_loop3A_191 : i32
      %parallel_loop3A_196 = arith.remsi %parallel_loop3A_160, %parallel_loop3A_195 : i32
      %parallel_loop3A_197 = arith.constant 0 : i32
      %parallel_loop3A_198 = arith.cmpi ne, %parallel_loop3A_196, %parallel_loop3A_197 : i32
      %parallel_loop3A_199 = arith.constant 0 : i32
      %parallel_loop3A_200 = arith.cmpi slt, %parallel_loop3A_196, %parallel_loop3A_199 : i32
      %parallel_loop3A_201 = arith.constant 0 : i32
      %parallel_loop3A_202 = arith.cmpi slt, %parallel_loop3A_195, %parallel_loop3A_201 : i32
      %parallel_loop3A_203 = arith.xori %parallel_loop3A_200, %parallel_loop3A_202 : i1
      %parallel_loop3A_204 = arith.andi %parallel_loop3A_203, %parallel_loop3A_198 : i1
      %parallel_loop3A_205 = arith.addi %parallel_loop3A_196, %parallel_loop3A_195 : i32
      %parallel_loop3A_206 = arith.select %parallel_loop3A_204, %parallel_loop3A_205, %parallel_loop3A_196 : i32
      %parallel_loop3A_207 = arith.constant 16 : i32
      %parallel_loop3A_208 = arith.muli %parallel_loop3A_206, %parallel_loop3A_207 : i32
      %parallel_loop3A_209 = arith.addi %parallel_loop3A_190, %parallel_loop3A_208 : i32
      %parallel_loop3A_210 = arith.index_cast %parallel_loop3A_209 : i32 to index
      %parallel_loop3A_211 = tpu.vector_load %arg5[%parallel_loop3A_210] {strides = array<i32>} : memref<16384xf32, #tpu.memory_space<vmem>>, vector<16xf32>,
      %parallel_loop3A_212 = arith.divf %parallel_loop3A_211, %get3A_3 : vector<16xf32>
      %parallel_loop3A_213 = arith.constant 128 : i32
      %parallel_loop3A_214 = arith.addi %parallel_loop3A_209, %parallel_loop3A_213 : i32
      %parallel_loop3A_215 = arith.index_cast %parallel_loop3A_214 : i32 to index
      %parallel_loop3A_216 = tpu.vector_load %arg5[%parallel_loop3A_215] {strides = array<i32>} : memref<16384xf32, #tpu.memory_space<vmem>>, vector<16xf32>,
      %parallel_loop3A_217 = arith.divf %parallel_loop3A_216, %get3A_3 : vector<16xf32>
      %parallel_loop3A_218 = arith.constant 256 : i32
      %parallel_loop3A_219 = arith.addi %parallel_loop3A_209, %parallel_loop3A_218 : i32
      %parallel_loop3A_220 = arith.index_cast %parallel_loop3A_219 : i32 to index
      %parallel_loop3A_221 = tpu.vector_load %arg5[%parallel_loop3A_220] {strides = array<i32>} : memref<16384xf32, #tpu.memory_space<vmem>>, vector<16xf32>,
      %parallel_loop3A_222 = arith.divf %parallel_loop3A_221, %get3A_3 : vector<16xf32>
      %parallel_loop3A_223 = arith.constant 384 : i32
      %parallel_loop3A_224 = arith.addi %parallel_loop3A_209, %parallel_loop3A_223 : i32
      %parallel_loop3A_225 = arith.index_cast %parallel_loop3A_224 : i32 to index
      %parallel_loop3A_226 = tpu.vector_load %arg5[%parallel_loop3A_225] {strides = array<i32>} : memref<16384xf32, #tpu.memory_space<vmem>>, vector<16xf32>,
      %parallel_loop3A_227 = arith.divf %parallel_loop3A_226, %get3A_3 : vector<16xf32>
      %parallel_loop3A_228 = arith.cmpf oge, %parallel_loop3A_212, %parallel_loop3A_217 : vector<16xf32>
      %parallel_loop3A_229 = arith.cmpf oge, %parallel_loop3A_212, %parallel_loop3A_222 : vector<16xf32>
      %parallel_loop3A_230 = arith.cmpf oge, %parallel_loop3A_212, %parallel_loop3A_227 : vector<16xf32>
      %parallel_loop3A_231 = arith.cmpf oge, %parallel_loop3A_217, %parallel_loop3A_222 : vector<16xf32>
      %parallel_loop3A_232 = arith.cmpf oge, %parallel_loop3A_217, %parallel_loop3A_227 : vector<16xf32>
      %parallel_loop3A_233 = arith.cmpf oge, %parallel_loop3A_222, %parallel_loop3A_227 : vector<16xf32>
      %parallel_loop3A_234 = arith.andi %parallel_loop3A_228, %parallel_loop3A_229 : vector<16xi1>
      %parallel_loop3A_235 = arith.ori %parallel_loop3A_228, %parallel_loop3A_229 : vector<16xi1>
      %parallel_loop3A_236 = arith.andi %parallel_loop3A_230, %parallel_loop3A_235 : vector<16xi1>
      %parallel_loop3A_237 = arith.ori %parallel_loop3A_234, %parallel_loop3A_236 : vector<16xi1>
      %parallel_loop3A_238 = arith.constant dense<true> : vector<16xi1>
      %parallel_loop3A_239 = arith.xori %parallel_loop3A_228, %parallel_loop3A_238 : vector<16xi1>
      %parallel_loop3A_240 = arith.andi %parallel_loop3A_239, %parallel_loop3A_231 : vector<16xi1>
      %parallel_loop3A_241 = arith.ori %parallel_loop3A_239, %parallel_loop3A_231 : vector<16xi1>
      %parallel_loop3A_242 = arith.andi %parallel_loop3A_232, %parallel_loop3A_241 : vector<16xi1>
      %parallel_loop3A_243 = arith.ori %parallel_loop3A_240, %parallel_loop3A_242 : vector<16xi1>
      %parallel_loop3A_244 = arith.constant dense<true> : vector<16xi1>
      %parallel_loop3A_245 = arith.xori %parallel_loop3A_229, %parallel_loop3A_244 : vector<16xi1>
      %parallel_loop3A_246 = arith.constant dense<true> : vector<16xi1>
      %parallel_loop3A_247 = arith.xori %parallel_loop3A_231, %parallel_loop3A_246 : vector<16xi1>
      %parallel_loop3A_248 = arith.andi %parallel_loop3A_245, %parallel_loop3A_247 : vector<16xi1>
      %parallel_loop3A_249 = arith.ori %parallel_loop3A_245, %parallel_loop3A_247 : vector<16xi1>
      %parallel_loop3A_250 = arith.andi %parallel_loop3A_233, %parallel_loop3A_249 : vector<16xi1>
      %parallel_loop3A_251 = arith.ori %parallel_loop3A_248, %parallel_loop3A_250 : vector<16xi1>
      %parallel_loop3A_252 = arith.andi %parallel_loop3A_230, %parallel_loop3A_232 : vector<16xi1>
      %parallel_loop3A_253 = arith.ori %parallel_loop3A_230, %parallel_loop3A_232 : vector<16xi1>
      %parallel_loop3A_254 = arith.andi %parallel_loop3A_233, %parallel_loop3A_253 : vector<16xi1>
      %parallel_loop3A_255 = arith.ori %parallel_loop3A_252, %parallel_loop3A_254 : vector<16xi1>
      %parallel_loop3A_256 = arith.constant dense<true> : vector<16xi1>
      %parallel_loop3A_257 = arith.xori %parallel_loop3A_255, %parallel_loop3A_256 : vector<16xi1>
      %parallel_loop3A_258 = arith.select %parallel_loop3A_237, %broadcast_in_dim3A_17, %broadcast_in_dim3A_19 : vector<16xi1>, vector<16xf32>
      tpu.vector_store_idx %arg7[%parallel_loop3A_161], %parallel_loop3A_258 : memref<16384xf32, #tpu.memory_space<vmem>>[vector<16xi32>], vector<16xf32>,
      %parallel_loop3A_259 = arith.select %parallel_loop3A_243, %broadcast_in_dim3A_17, %broadcast_in_dim3A_19 : vector<16xi1>, vector<16xf32>
      tpu.vector_store_idx %arg7[%parallel_loop3A_162], %parallel_loop3A_259 : memref<16384xf32, #tpu.memory_space<vmem>>[vector<16xi32>], vector<16xf32>,
      %parallel_loop3A_260 = arith.select %parallel_loop3A_251, %broadcast_in_dim3A_17, %broadcast_in_dim3A_19 : vector<16xi1>, vector<16xf32>
      tpu.vector_store_idx %arg7[%parallel_loop3A_163], %parallel_loop3A_260 : memref<16384xf32, #tpu.memory_space<vmem>>[vector<16xi32>], vector<16xf32>,
      %parallel_loop3A_261 = arith.select %parallel_loop3A_257, %broadcast_in_dim3A_17, %broadcast_in_dim3A_19 : vector<16xi1>, vector<16xf32>
      tpu.vector_store_idx %arg7[%parallel_loop3A_164], %parallel_loop3A_261 : memref<16384xf32, #tpu.memory_space<vmem>>[vector<16xi32>], vector<16xf32>,
      %parallel_loop3A_262 = arith.addi %parallel_loop3A_161, %broadcast_in_dim3A_21 : vector<16xi32>
      %parallel_loop3A_263 = arith.addi %parallel_loop3A_162, %broadcast_in_dim3A_21 : vector<16xi32>
      %parallel_loop3A_264 = arith.addi %parallel_loop3A_163, %broadcast_in_dim3A_21 : vector<16xi32>
      %parallel_loop3A_265 = arith.addi %parallel_loop3A_164, %broadcast_in_dim3A_21 : vector<16xi32>
      scf.yield %parallel_loop3A_262, %parallel_loop3A_263, %parallel_loop3A_264, %parallel_loop3A_265 : vector<16xi32>, vector<16xi32>, vector<16xi32>, vector<16xi32>
    } {sc.loop_unroll_factor = 8 : i64, sc.parallel_access}
    %add3A_34 = arith.constant 0 : i32
    %add3A_35 = arith.addi %mul3A_2, %add3A_34 : i32
    %dma_start3A_36 = tpu.memref_slice %arg4[%add3A_35] : memref<16777216xf32, #tpu.memory_space<hbm>> -> memref<16384xf32, #tpu.memory_space<hbm>>
    %dma_start3A_37 = tpu.memref_slice %arg4[%add3A_35] : memref<16777216xf32, #tpu.memory_space<hbm>> -> memref<16384xf32, #tpu.memory_space<hbm>>
    tpu.enqueue_dma source(%arg7 : memref<16384xf32, #tpu.memory_space<vmem>>) target(%dma_start3A_37 : memref<16384xf32, #tpu.memory_space<hbm>>) target_semaphore(%arg12 : memref<!tpu.dma_semaphore, #tpu.memory_space<semaphore_mem>>)
    %add3A_38 = arith.constant 32768 : i32
    %add3A_39 = arith.addi %mul3A_2, %add3A_38 : i32
    %dma_start3A_40 = tpu.memref_slice %arg2[%add3A_39] : memref<16777216xf32, #tpu.memory_space<hbm>> -> memref<16384xf32, #tpu.memory_space<hbm>>
    %dma_start3A_41 = tpu.memref_slice %arg2[%add3A_39] : memref<16777216xf32, #tpu.memory_space<hbm>> -> memref<16384xf32, #tpu.memory_space<hbm>>
    tpu.enqueue_dma source(%dma_start3A_41 : memref<16384xf32, #tpu.memory_space<hbm>>) target(%arg5 : memref<16384xf32, #tpu.memory_space<vmem>>) target_semaphore(%arg10 : memref<!tpu.dma_semaphore, #tpu.memory_space<semaphore_mem>>)
    %add3A_42 = arith.constant 16384 : i32
    %add3A_43 = arith.addi %mul3A_2, %add3A_42 : i32
    %dma_wait3A_44 = tpu.memref_slice %arg2[%add3A_43] : memref<16777216xf32, #tpu.memory_space<hbm>> -> memref<16384xf32, #tpu.memory_space<hbm>>
    %dma_wait3A_45 = tpu.memref_slice %arg2[%add3A_43] : memref<16777216xf32, #tpu.memory_space<hbm>> -> memref<16384xf32, #tpu.memory_space<hbm>>
    tpu.wait_dma2 semaphore(%arg11 : memref<!tpu.dma_semaphore, #tpu.memory_space<semaphore_mem>>) src(%dma_wait3A_45 : memref<16384xf32, #tpu.memory_space<hbm>>) dst(%arg6 : memref<16384xf32, #tpu.memory_space<vmem>>)
    %iota3A_46 = tpu.iota {dimensions = array<i32: 0>} : vector<16xi32>
    %mul3A_47 = arith.constant 4 : i32
    %mul3A_48 = vector.broadcast %mul3A_47 : i32 to vector<16xi32>
    %mul3A_49 = arith.muli %mul3A_48, %iota3A_46 : vector<16xi32>
    %broadcast_in_dim3A_50 = arith.constant 1.000000e+00 : f32
    %broadcast_in_dim3A_51 = vector.broadcast %broadcast_in_dim3A_50 : f32 to vector<16xf32>
    %broadcast_in_dim3A_52 = arith.constant 0.000000e+00 : f32
    %broadcast_in_dim3A_53 = vector.broadcast %broadcast_in_dim3A_52 : f32 to vector<16xf32>
    %broadcast_in_dim3A_54 = arith.constant 64 : i32
    %broadcast_in_dim3A_55 = vector.broadcast %broadcast_in_dim3A_54 : i32 to vector<16xi32>
    %add3A_56 = arith.constant 1 : i32
    %add3A_57 = vector.broadcast %add3A_56 : i32 to vector<16xi32>
    %add3A_58 = arith.addi %mul3A_49, %add3A_57 : vector<16xi32>
    %add3A_59 = arith.constant 2 : i32
    %add3A_60 = vector.broadcast %add3A_59 : i32 to vector<16xi32>
    %add3A_61 = arith.addi %mul3A_49, %add3A_60 : vector<16xi32>
    %add3A_62 = arith.constant 3 : i32
    %add3A_63 = vector.broadcast %add3A_62 : i32 to vector<16xi32>
    %add3A_64 = arith.addi %mul3A_49, %add3A_63 : vector<16xi32>
    %parallel_loop3A_65 = arith.constant 0 : i32
    %parallel_loop3A_66 = arith.constant 256 : i32
    %parallel_loop3A_67 = arith.constant 1 : i32
    %parallel_loop3A_68:4 = scf.for %parallel_loop3A_160 = %parallel_loop3A_65 to %parallel_loop3A_66 step %parallel_loop3A_67 iter_args(%parallel_loop3A_161 = %mul3A_49, %parallel_loop3A_162 = %add3A_58, %parallel_loop3A_163 = %add3A_61, %parallel_loop3A_164 = %add3A_64) -> (vector<16xi32>, vector<16xi32>, vector<16xi32>, vector<16xi32>)  : i32 {
      %parallel_loop3A_165 = arith.constant 8 : i32
      %parallel_loop3A_166 = arith.divsi %parallel_loop3A_160, %parallel_loop3A_165 : i32
      %parallel_loop3A_167 = arith.constant 0 : i32
      %parallel_loop3A_168 = arith.cmpi sgt, %parallel_loop3A_160, %parallel_loop3A_167 : i32
      %parallel_loop3A_169 = arith.extui %parallel_loop3A_168 : i1 to i32
      %parallel_loop3A_170 = arith.constant 0 : i32
      %parallel_loop3A_171 = arith.cmpi slt, %parallel_loop3A_160, %parallel_loop3A_170 : i32
      %parallel_loop3A_172 = arith.extui %parallel_loop3A_171 : i1 to i32
      %parallel_loop3A_173 = arith.subi %parallel_loop3A_169, %parallel_loop3A_172 : i32
      %parallel_loop3A_174 = arith.constant 0 : i32
      %parallel_loop3A_175 = arith.cmpi sgt, %parallel_loop3A_165, %parallel_loop3A_174 : i32
      %parallel_loop3A_176 = arith.extui %parallel_loop3A_175 : i1 to i32
      %parallel_loop3A_177 = arith.constant 0 : i32
      %parallel_loop3A_178 = arith.cmpi slt, %parallel_loop3A_165, %parallel_loop3A_177 : i32
      %parallel_loop3A_179 = arith.extui %parallel_loop3A_178 : i1 to i32
      %parallel_loop3A_180 = arith.subi %parallel_loop3A_176, %parallel_loop3A_179 : i32
      %parallel_loop3A_181 = arith.cmpi ne, %parallel_loop3A_173, %parallel_loop3A_180 : i32
      %parallel_loop3A_182 = arith.remsi %parallel_loop3A_160, %parallel_loop3A_165 : i32
      %parallel_loop3A_183 = arith.constant 0 : i32
      %parallel_loop3A_184 = arith.cmpi ne, %parallel_loop3A_182, %parallel_loop3A_183 : i32
      %parallel_loop3A_185 = arith.andi %parallel_loop3A_181, %parallel_loop3A_184 : i1
      %parallel_loop3A_186 = arith.constant 1 : i32
      %parallel_loop3A_187 = arith.subi %parallel_loop3A_166, %parallel_loop3A_186 : i32
      %parallel_loop3A_188 = arith.select %parallel_loop3A_185, %parallel_loop3A_187, %parallel_loop3A_166 : i32
      %parallel_loop3A_189 = arith.constant 512 : i32
      %parallel_loop3A_190 = arith.muli %parallel_loop3A_188, %parallel_loop3A_189 : i32
      %parallel_loop3A_191 = arith.constant 8 : i32
      %parallel_loop3A_192 = arith.constant 0 : i32
      %parallel_loop3A_193 = arith.cmpi eq, %parallel_loop3A_191, %parallel_loop3A_192 : i32
      %parallel_loop3A_194 = arith.constant 1 : i32
      %parallel_loop3A_195 = arith.select %parallel_loop3A_193, %parallel_loop3A_194, %parallel_loop3A_191 : i32
      %parallel_loop3A_196 = arith.remsi %parallel_loop3A_160, %parallel_loop3A_195 : i32
      %parallel_loop3A_197 = arith.constant 0 : i32
      %parallel_loop3A_198 = arith.cmpi ne, %parallel_loop3A_196, %parallel_loop3A_197 : i32
      %parallel_loop3A_199 = arith.constant 0 : i32
      %parallel_loop3A_200 = arith.cmpi slt, %parallel_loop3A_196, %parallel_loop3A_199 : i32
      %parallel_loop3A_201 = arith.constant 0 : i32
      %parallel_loop3A_202 = arith.cmpi slt, %parallel_loop3A_195, %parallel_loop3A_201 : i32
      %parallel_loop3A_203 = arith.xori %parallel_loop3A_200, %parallel_loop3A_202 : i1
      %parallel_loop3A_204 = arith.andi %parallel_loop3A_203, %parallel_loop3A_198 : i1
      %parallel_loop3A_205 = arith.addi %parallel_loop3A_196, %parallel_loop3A_195 : i32
      %parallel_loop3A_206 = arith.select %parallel_loop3A_204, %parallel_loop3A_205, %parallel_loop3A_196 : i32
      %parallel_loop3A_207 = arith.constant 16 : i32
      %parallel_loop3A_208 = arith.muli %parallel_loop3A_206, %parallel_loop3A_207 : i32
      %parallel_loop3A_209 = arith.addi %parallel_loop3A_190, %parallel_loop3A_208 : i32
      %parallel_loop3A_210 = arith.index_cast %parallel_loop3A_209 : i32 to index
      %parallel_loop3A_211 = tpu.vector_load %arg6[%parallel_loop3A_210] {strides = array<i32>} : memref<16384xf32, #tpu.memory_space<vmem>>, vector<16xf32>,
      %parallel_loop3A_212 = arith.divf %parallel_loop3A_211, %get3A_3 : vector<16xf32>
      %parallel_loop3A_213 = arith.constant 128 : i32
      %parallel_loop3A_214 = arith.addi %parallel_loop3A_209, %parallel_loop3A_213 : i32
      %parallel_loop3A_215 = arith.index_cast %parallel_loop3A_214 : i32 to index
      %parallel_loop3A_216 = tpu.vector_load %arg6[%parallel_loop3A_215] {strides = array<i32>} : memref<16384xf32, #tpu.memory_space<vmem>>, vector<16xf32>,
      %parallel_loop3A_217 = arith.divf %parallel_loop3A_216, %get3A_3 : vector<16xf32>
      %parallel_loop3A_218 = arith.constant 256 : i32
      %parallel_loop3A_219 = arith.addi %parallel_loop3A_209, %parallel_loop3A_218 : i32
      %parallel_loop3A_220 = arith.index_cast %parallel_loop3A_219 : i32 to index
      %parallel_loop3A_221 = tpu.vector_load %arg6[%parallel_loop3A_220] {strides = array<i32>} : memref<16384xf32, #tpu.memory_space<vmem>>, vector<16xf32>,
      %parallel_loop3A_222 = arith.divf %parallel_loop3A_221, %get3A_3 : vector<16xf32>
      %parallel_loop3A_223 = arith.constant 384 : i32
      %parallel_loop3A_224 = arith.addi %parallel_loop3A_209, %parallel_loop3A_223 : i32
      %parallel_loop3A_225 = arith.index_cast %parallel_loop3A_224 : i32 to index
      %parallel_loop3A_226 = tpu.vector_load %arg6[%parallel_loop3A_225] {strides = array<i32>} : memref<16384xf32, #tpu.memory_space<vmem>>, vector<16xf32>,
      %parallel_loop3A_227 = arith.divf %parallel_loop3A_226, %get3A_3 : vector<16xf32>
      %parallel_loop3A_228 = arith.cmpf oge, %parallel_loop3A_212, %parallel_loop3A_217 : vector<16xf32>
      %parallel_loop3A_229 = arith.cmpf oge, %parallel_loop3A_212, %parallel_loop3A_222 : vector<16xf32>
      %parallel_loop3A_230 = arith.cmpf oge, %parallel_loop3A_212, %parallel_loop3A_227 : vector<16xf32>
      %parallel_loop3A_231 = arith.cmpf oge, %parallel_loop3A_217, %parallel_loop3A_222 : vector<16xf32>
      %parallel_loop3A_232 = arith.cmpf oge, %parallel_loop3A_217, %parallel_loop3A_227 : vector<16xf32>
      %parallel_loop3A_233 = arith.cmpf oge, %parallel_loop3A_222, %parallel_loop3A_227 : vector<16xf32>
      %parallel_loop3A_234 = arith.andi %parallel_loop3A_228, %parallel_loop3A_229 : vector<16xi1>
      %parallel_loop3A_235 = arith.ori %parallel_loop3A_228, %parallel_loop3A_229 : vector<16xi1>
      %parallel_loop3A_236 = arith.andi %parallel_loop3A_230, %parallel_loop3A_235 : vector<16xi1>
      %parallel_loop3A_237 = arith.ori %parallel_loop3A_234, %parallel_loop3A_236 : vector<16xi1>
      %parallel_loop3A_238 = arith.constant dense<true> : vector<16xi1>
      %parallel_loop3A_239 = arith.xori %parallel_loop3A_228, %parallel_loop3A_238 : vector<16xi1>
      %parallel_loop3A_240 = arith.andi %parallel_loop3A_239, %parallel_loop3A_231 : vector<16xi1>
      %parallel_loop3A_241 = arith.ori %parallel_loop3A_239, %parallel_loop3A_231 : vector<16xi1>
      %parallel_loop3A_242 = arith.andi %parallel_loop3A_232, %parallel_loop3A_241 : vector<16xi1>
      %parallel_loop3A_243 = arith.ori %parallel_loop3A_240, %parallel_loop3A_242 : vector<16xi1>
      %parallel_loop3A_244 = arith.constant dense<true> : vector<16xi1>
      %parallel_loop3A_245 = arith.xori %parallel_loop3A_229, %parallel_loop3A_244 : vector<16xi1>
      %parallel_loop3A_246 = arith.constant dense<true> : vector<16xi1>
      %parallel_loop3A_247 = arith.xori %parallel_loop3A_231, %parallel_loop3A_246 : vector<16xi1>
      %parallel_loop3A_248 = arith.andi %parallel_loop3A_245, %parallel_loop3A_247 : vector<16xi1>
      %parallel_loop3A_249 = arith.ori %parallel_loop3A_245, %parallel_loop3A_247 : vector<16xi1>
      %parallel_loop3A_250 = arith.andi %parallel_loop3A_233, %parallel_loop3A_249 : vector<16xi1>
      %parallel_loop3A_251 = arith.ori %parallel_loop3A_248, %parallel_loop3A_250 : vector<16xi1>
      %parallel_loop3A_252 = arith.andi %parallel_loop3A_230, %parallel_loop3A_232 : vector<16xi1>
      %parallel_loop3A_253 = arith.ori %parallel_loop3A_230, %parallel_loop3A_232 : vector<16xi1>
      %parallel_loop3A_254 = arith.andi %parallel_loop3A_233, %parallel_loop3A_253 : vector<16xi1>
      %parallel_loop3A_255 = arith.ori %parallel_loop3A_252, %parallel_loop3A_254 : vector<16xi1>
      %parallel_loop3A_256 = arith.constant dense<true> : vector<16xi1>
      %parallel_loop3A_257 = arith.xori %parallel_loop3A_255, %parallel_loop3A_256 : vector<16xi1>
      %parallel_loop3A_258 = arith.select %parallel_loop3A_237, %broadcast_in_dim3A_51, %broadcast_in_dim3A_53 : vector<16xi1>, vector<16xf32>
      tpu.vector_store_idx %arg8[%parallel_loop3A_161], %parallel_loop3A_258 : memref<16384xf32, #tpu.memory_space<vmem>>[vector<16xi32>], vector<16xf32>,
      %parallel_loop3A_259 = arith.select %parallel_loop3A_243, %broadcast_in_dim3A_51, %broadcast_in_dim3A_53 : vector<16xi1>, vector<16xf32>
      tpu.vector_store_idx %arg8[%parallel_loop3A_162], %parallel_loop3A_259 : memref<16384xf32, #tpu.memory_space<vmem>>[vector<16xi32>], vector<16xf32>,
      %parallel_loop3A_260 = arith.select %parallel_loop3A_251, %broadcast_in_dim3A_51, %broadcast_in_dim3A_53 : vector<16xi1>, vector<16xf32>
      tpu.vector_store_idx %arg8[%parallel_loop3A_163], %parallel_loop3A_260 : memref<16384xf32, #tpu.memory_space<vmem>>[vector<16xi32>], vector<16xf32>,
      %parallel_loop3A_261 = arith.select %parallel_loop3A_257, %broadcast_in_dim3A_51, %broadcast_in_dim3A_53 : vector<16xi1>, vector<16xf32>
      tpu.vector_store_idx %arg8[%parallel_loop3A_164], %parallel_loop3A_261 : memref<16384xf32, #tpu.memory_space<vmem>>[vector<16xi32>], vector<16xf32>,
      %parallel_loop3A_262 = arith.addi %parallel_loop3A_161, %broadcast_in_dim3A_55 : vector<16xi32>
      %parallel_loop3A_263 = arith.addi %parallel_loop3A_162, %broadcast_in_dim3A_55 : vector<16xi32>
      %parallel_loop3A_264 = arith.addi %parallel_loop3A_163, %broadcast_in_dim3A_55 : vector<16xi32>
      %parallel_loop3A_265 = arith.addi %parallel_loop3A_164, %broadcast_in_dim3A_55 : vector<16xi32>
      scf.yield %parallel_loop3A_262, %parallel_loop3A_263, %parallel_loop3A_264, %parallel_loop3A_265 : vector<16xi32>, vector<16xi32>, vector<16xi32>, vector<16xi32>
    } {sc.loop_unroll_factor = 8 : i64, sc.parallel_access}
    %add3A_69 = arith.constant 16384 : i32
    %add3A_70 = arith.addi %mul3A_2, %add3A_69 : i32
    %dma_start3A_71 = tpu.memref_slice %arg4[%add3A_70] : memref<16777216xf32, #tpu.memory_space<hbm>> -> memref<16384xf32, #tpu.memory_space<hbm>>
    %dma_start3A_72 = tpu.memref_slice %arg4[%add3A_70] : memref<16777216xf32, #tpu.memory_space<hbm>> -> memref<16384xf32, #tpu.memory_space<hbm>>
    tpu.enqueue_dma source(%arg8 : memref<16384xf32, #tpu.memory_space<vmem>>) target(%dma_start3A_72 : memref<16384xf32, #tpu.memory_space<hbm>>) target_semaphore(%arg13 : memref<!tpu.dma_semaphore, #tpu.memory_space<semaphore_mem>>)
    %add3A_73 = arith.constant 49152 : i32
    %add3A_74 = arith.addi %mul3A_2, %add3A_73 : i32
    %dma_start3A_75 = tpu.memref_slice %arg2[%add3A_74] : memref<16777216xf32, #tpu.memory_space<hbm>> -> memref<16384xf32, #tpu.memory_space<hbm>>
    %dma_start3A_76 = tpu.memref_slice %arg2[%add3A_74] : memref<16777216xf32, #tpu.memory_space<hbm>> -> memref<16384xf32, #tpu.memory_space<hbm>>
    tpu.enqueue_dma source(%dma_start3A_76 : memref<16384xf32, #tpu.memory_space<hbm>>) target(%arg6 : memref<16384xf32, #tpu.memory_space<vmem>>) target_semaphore(%arg11 : memref<!tpu.dma_semaphore, #tpu.memory_space<semaphore_mem>>)
    %scan3A = arith.constant 0 : i32
    %scan3A_77 = arith.constant 1 : i32
    %scan3A_78 = arith.constant 14 : i32
    %scan3A_79 = arith.addi %scan3A_77, %scan3A_78 : i32
    %scan3A_80 = arith.constant 1 : i32
    scf.for %scan3A_160 = %scan3A_77 to %scan3A_79 step %scan3A_80  : i32 {
      %mul3A_161 = arith.constant 2 : i32
      %mul3A_162 = arith.muli %mul3A_161, %scan3A_160 : i32
      %add3A_163 = arith.constant 0 : i32
      %add3A_164 = arith.addi %mul3A_162, %add3A_163 : i32
      %mul3A_165 = arith.constant 16384 : i32
      %mul3A_166 = arith.muli %add3A_164, %mul3A_165 : i32
      %add3A_167 = arith.addi %mul3A_2, %mul3A_166 : i32
      %dma_wait3A_168 = tpu.memref_slice %arg2[%add3A_167] : memref<16777216xf32, #tpu.memory_space<hbm>> -> memref<16384xf32, #tpu.memory_space<hbm>>
      %dma_wait3A_169 = tpu.memref_slice %arg2[%add3A_167] : memref<16777216xf32, #tpu.memory_space<hbm>> -> memref<16384xf32, #tpu.memory_space<hbm>>
      tpu.wait_dma2 semaphore(%arg10 : memref<!tpu.dma_semaphore, #tpu.memory_space<semaphore_mem>>) src(%dma_wait3A_169 : memref<16384xf32, #tpu.memory_space<hbm>>) dst(%arg5 : memref<16384xf32, #tpu.memory_space<vmem>>)
      %add3A_170 = arith.constant 0 : i32
      %add3A_171 = arith.addi %mul3A_162, %add3A_170 : i32
      %mul3A_172 = arith.constant 16384 : i32
      %mul3A_173 = arith.muli %add3A_171, %mul3A_172 : i32
      %add3A_174 = arith.addi %mul3A_2, %mul3A_173 : i32
      %dma_wait3A_175 = tpu.memref_slice %arg4[%add3A_174] : memref<16777216xf32, #tpu.memory_space<hbm>> -> memref<16384xf32, #tpu.memory_space<hbm>>
      %dma_wait3A_176 = tpu.memref_slice %arg4[%add3A_174] : memref<16777216xf32, #tpu.memory_space<hbm>> -> memref<16384xf32, #tpu.memory_space<hbm>>
      tpu.wait_dma2 semaphore(%arg12 : memref<!tpu.dma_semaphore, #tpu.memory_space<semaphore_mem>>) src(%arg7 : memref<16384xf32, #tpu.memory_space<vmem>>) dst(%dma_wait3A_176 : memref<16384xf32, #tpu.memory_space<hbm>>)
      %iota3A_177 = tpu.iota {dimensions = array<i32: 0>} : vector<16xi32>
      %mul3A_178 = arith.constant 4 : i32
      %mul3A_179 = vector.broadcast %mul3A_178 : i32 to vector<16xi32>
      %mul3A_180 = arith.muli %mul3A_179, %iota3A_177 : vector<16xi32>
      %broadcast_in_dim3A_181 = arith.constant 1.000000e+00 : f32
      %broadcast_in_dim3A_182 = vector.broadcast %broadcast_in_dim3A_181 : f32 to vector<16xf32>
      %broadcast_in_dim3A_183 = arith.constant 0.000000e+00 : f32
      %broadcast_in_dim3A_184 = vector.broadcast %broadcast_in_dim3A_183 : f32 to vector<16xf32>
      %broadcast_in_dim3A_185 = arith.constant 64 : i32
      %broadcast_in_dim3A_186 = vector.broadcast %broadcast_in_dim3A_185 : i32 to vector<16xi32>
      %add3A_187 = arith.constant 1 : i32
      %add3A_188 = vector.broadcast %add3A_187 : i32 to vector<16xi32>
      %add3A_189 = arith.addi %mul3A_180, %add3A_188 : vector<16xi32>
      %add3A_190 = arith.constant 2 : i32
      %add3A_191 = vector.broadcast %add3A_190 : i32 to vector<16xi32>
      %add3A_192 = arith.addi %mul3A_180, %add3A_191 : vector<16xi32>
      %add3A_193 = arith.constant 3 : i32
      %add3A_194 = vector.broadcast %add3A_193 : i32 to vector<16xi32>
      %add3A_195 = arith.addi %mul3A_180, %add3A_194 : vector<16xi32>
      %parallel_loop3A_196 = arith.constant 0 : i32
      %parallel_loop3A_197 = arith.constant 256 : i32
      %parallel_loop3A_198 = arith.constant 1 : i32
      %parallel_loop3A_199:4 = scf.for %parallel_loop3A_269 = %parallel_loop3A_196 to %parallel_loop3A_197 step %parallel_loop3A_198 iter_args(%parallel_loop3A_270 = %mul3A_180, %parallel_loop3A_271 = %add3A_189, %parallel_loop3A_272 = %add3A_192, %parallel_loop3A_273 = %add3A_195) -> (vector<16xi32>, vector<16xi32>, vector<16xi32>, vector<16xi32>)  : i32 {
        %parallel_loop3A_274 = arith.constant 8 : i32
        %parallel_loop3A_275 = arith.divsi %parallel_loop3A_269, %parallel_loop3A_274 : i32
        %parallel_loop3A_276 = arith.constant 0 : i32
        %parallel_loop3A_277 = arith.cmpi sgt, %parallel_loop3A_269, %parallel_loop3A_276 : i32
        %parallel_loop3A_278 = arith.extui %parallel_loop3A_277 : i1 to i32
        %parallel_loop3A_279 = arith.constant 0 : i32
        %parallel_loop3A_280 = arith.cmpi slt, %parallel_loop3A_269, %parallel_loop3A_279 : i32
        %parallel_loop3A_281 = arith.extui %parallel_loop3A_280 : i1 to i32
        %parallel_loop3A_282 = arith.subi %parallel_loop3A_278, %parallel_loop3A_281 : i32
        %parallel_loop3A_283 = arith.constant 0 : i32
        %parallel_loop3A_284 = arith.cmpi sgt, %parallel_loop3A_274, %parallel_loop3A_283 : i32
        %parallel_loop3A_285 = arith.extui %parallel_loop3A_284 : i1 to i32
        %parallel_loop3A_286 = arith.constant 0 : i32
        %parallel_loop3A_287 = arith.cmpi slt, %parallel_loop3A_274, %parallel_loop3A_286 : i32
        %parallel_loop3A_288 = arith.extui %parallel_loop3A_287 : i1 to i32
        %parallel_loop3A_289 = arith.subi %parallel_loop3A_285, %parallel_loop3A_288 : i32
        %parallel_loop3A_290 = arith.cmpi ne, %parallel_loop3A_282, %parallel_loop3A_289 : i32
        %parallel_loop3A_291 = arith.remsi %parallel_loop3A_269, %parallel_loop3A_274 : i32
        %parallel_loop3A_292 = arith.constant 0 : i32
        %parallel_loop3A_293 = arith.cmpi ne, %parallel_loop3A_291, %parallel_loop3A_292 : i32
        %parallel_loop3A_294 = arith.andi %parallel_loop3A_290, %parallel_loop3A_293 : i1
        %parallel_loop3A_295 = arith.constant 1 : i32
        %parallel_loop3A_296 = arith.subi %parallel_loop3A_275, %parallel_loop3A_295 : i32
        %parallel_loop3A_297 = arith.select %parallel_loop3A_294, %parallel_loop3A_296, %parallel_loop3A_275 : i32
        %parallel_loop3A_298 = arith.constant 512 : i32
        %parallel_loop3A_299 = arith.muli %parallel_loop3A_297, %parallel_loop3A_298 : i32
        %parallel_loop3A_300 = arith.constant 8 : i32
        %parallel_loop3A_301 = arith.constant 0 : i32
        %parallel_loop3A_302 = arith.cmpi eq, %parallel_loop3A_300, %parallel_loop3A_301 : i32
        %parallel_loop3A_303 = arith.constant 1 : i32
        %parallel_loop3A_304 = arith.select %parallel_loop3A_302, %parallel_loop3A_303, %parallel_loop3A_300 : i32
        %parallel_loop3A_305 = arith.remsi %parallel_loop3A_269, %parallel_loop3A_304 : i32
        %parallel_loop3A_306 = arith.constant 0 : i32
        %parallel_loop3A_307 = arith.cmpi ne, %parallel_loop3A_305, %parallel_loop3A_306 : i32
        %parallel_loop3A_308 = arith.constant 0 : i32
        %parallel_loop3A_309 = arith.cmpi slt, %parallel_loop3A_305, %parallel_loop3A_308 : i32
        %parallel_loop3A_310 = arith.constant 0 : i32
        %parallel_loop3A_311 = arith.cmpi slt, %parallel_loop3A_304, %parallel_loop3A_310 : i32
        %parallel_loop3A_312 = arith.xori %parallel_loop3A_309, %parallel_loop3A_311 : i1
        %parallel_loop3A_313 = arith.andi %parallel_loop3A_312, %parallel_loop3A_307 : i1
        %parallel_loop3A_314 = arith.addi %parallel_loop3A_305, %parallel_loop3A_304 : i32
        %parallel_loop3A_315 = arith.select %parallel_loop3A_313, %parallel_loop3A_314, %parallel_loop3A_305 : i32
        %parallel_loop3A_316 = arith.constant 16 : i32
        %parallel_loop3A_317 = arith.muli %parallel_loop3A_315, %parallel_loop3A_316 : i32
        %parallel_loop3A_318 = arith.addi %parallel_loop3A_299, %parallel_loop3A_317 : i32
        %parallel_loop3A_319 = arith.index_cast %parallel_loop3A_318 : i32 to index
        %parallel_loop3A_320 = tpu.vector_load %arg5[%parallel_loop3A_319] {strides = array<i32>} : memref<16384xf32, #tpu.memory_space<vmem>>, vector<16xf32>,
        %parallel_loop3A_321 = arith.divf %parallel_loop3A_320, %get3A_3 : vector<16xf32>
        %parallel_loop3A_322 = arith.constant 128 : i32
        %parallel_loop3A_323 = arith.addi %parallel_loop3A_318, %parallel_loop3A_322 : i32
        %parallel_loop3A_324 = arith.index_cast %parallel_loop3A_323 : i32 to index
        %parallel_loop3A_325 = tpu.vector_load %arg5[%parallel_loop3A_324] {strides = array<i32>} : memref<16384xf32, #tpu.memory_space<vmem>>, vector<16xf32>,
        %parallel_loop3A_326 = arith.divf %parallel_loop3A_325, %get3A_3 : vector<16xf32>
        %parallel_loop3A_327 = arith.constant 256 : i32
        %parallel_loop3A_328 = arith.addi %parallel_loop3A_318, %parallel_loop3A_327 : i32
        %parallel_loop3A_329 = arith.index_cast %parallel_loop3A_328 : i32 to index
        %parallel_loop3A_330 = tpu.vector_load %arg5[%parallel_loop3A_329] {strides = array<i32>} : memref<16384xf32, #tpu.memory_space<vmem>>, vector<16xf32>,
        %parallel_loop3A_331 = arith.divf %parallel_loop3A_330, %get3A_3 : vector<16xf32>
        %parallel_loop3A_332 = arith.constant 384 : i32
        %parallel_loop3A_333 = arith.addi %parallel_loop3A_318, %parallel_loop3A_332 : i32
        %parallel_loop3A_334 = arith.index_cast %parallel_loop3A_333 : i32 to index
        %parallel_loop3A_335 = tpu.vector_load %arg5[%parallel_loop3A_334] {strides = array<i32>} : memref<16384xf32, #tpu.memory_space<vmem>>, vector<16xf32>,
        %parallel_loop3A_336 = arith.divf %parallel_loop3A_335, %get3A_3 : vector<16xf32>
        %parallel_loop3A_337 = arith.cmpf oge, %parallel_loop3A_321, %parallel_loop3A_326 : vector<16xf32>
        %parallel_loop3A_338 = arith.cmpf oge, %parallel_loop3A_321, %parallel_loop3A_331 : vector<16xf32>
        %parallel_loop3A_339 = arith.cmpf oge, %parallel_loop3A_321, %parallel_loop3A_336 : vector<16xf32>
        %parallel_loop3A_340 = arith.cmpf oge, %parallel_loop3A_326, %parallel_loop3A_331 : vector<16xf32>
        %parallel_loop3A_341 = arith.cmpf oge, %parallel_loop3A_326, %parallel_loop3A_336 : vector<16xf32>
        %parallel_loop3A_342 = arith.cmpf oge, %parallel_loop3A_331, %parallel_loop3A_336 : vector<16xf32>
        %parallel_loop3A_343 = arith.andi %parallel_loop3A_337, %parallel_loop3A_338 : vector<16xi1>
        %parallel_loop3A_344 = arith.ori %parallel_loop3A_337, %parallel_loop3A_338 : vector<16xi1>
        %parallel_loop3A_345 = arith.andi %parallel_loop3A_339, %parallel_loop3A_344 : vector<16xi1>
        %parallel_loop3A_346 = arith.ori %parallel_loop3A_343, %parallel_loop3A_345 : vector<16xi1>
        %parallel_loop3A_347 = arith.constant dense<true> : vector<16xi1>
        %parallel_loop3A_348 = arith.xori %parallel_loop3A_337, %parallel_loop3A_347 : vector<16xi1>
        %parallel_loop3A_349 = arith.andi %parallel_loop3A_348, %parallel_loop3A_340 : vector<16xi1>
        %parallel_loop3A_350 = arith.ori %parallel_loop3A_348, %parallel_loop3A_340 : vector<16xi1>
        %parallel_loop3A_351 = arith.andi %parallel_loop3A_341, %parallel_loop3A_350 : vector<16xi1>
        %parallel_loop3A_352 = arith.ori %parallel_loop3A_349, %parallel_loop3A_351 : vector<16xi1>
        %parallel_loop3A_353 = arith.constant dense<true> : vector<16xi1>
        %parallel_loop3A_354 = arith.xori %parallel_loop3A_338, %parallel_loop3A_353 : vector<16xi1>
        %parallel_loop3A_355 = arith.constant dense<true> : vector<16xi1>
        %parallel_loop3A_356 = arith.xori %parallel_loop3A_340, %parallel_loop3A_355 : vector<16xi1>
        %parallel_loop3A_357 = arith.andi %parallel_loop3A_354, %parallel_loop3A_356 : vector<16xi1>
        %parallel_loop3A_358 = arith.ori %parallel_loop3A_354, %parallel_loop3A_356 : vector<16xi1>
        %parallel_loop3A_359 = arith.andi %parallel_loop3A_342, %parallel_loop3A_358 : vector<16xi1>
        %parallel_loop3A_360 = arith.ori %parallel_loop3A_357, %parallel_loop3A_359 : vector<16xi1>
        %parallel_loop3A_361 = arith.andi %parallel_loop3A_339, %parallel_loop3A_341 : vector<16xi1>
        %parallel_loop3A_362 = arith.ori %parallel_loop3A_339, %parallel_loop3A_341 : vector<16xi1>
        %parallel_loop3A_363 = arith.andi %parallel_loop3A_342, %parallel_loop3A_362 : vector<16xi1>
        %parallel_loop3A_364 = arith.ori %parallel_loop3A_361, %parallel_loop3A_363 : vector<16xi1>
        %parallel_loop3A_365 = arith.constant dense<true> : vector<16xi1>
        %parallel_loop3A_366 = arith.xori %parallel_loop3A_364, %parallel_loop3A_365 : vector<16xi1>
        %parallel_loop3A_367 = arith.select %parallel_loop3A_346, %broadcast_in_dim3A_182, %broadcast_in_dim3A_184 : vector<16xi1>, vector<16xf32>
        tpu.vector_store_idx %arg7[%parallel_loop3A_270], %parallel_loop3A_367 : memref<16384xf32, #tpu.memory_space<vmem>>[vector<16xi32>], vector<16xf32>,
        %parallel_loop3A_368 = arith.select %parallel_loop3A_352, %broadcast_in_dim3A_182, %broadcast_in_dim3A_184 : vector<16xi1>, vector<16xf32>
        tpu.vector_store_idx %arg7[%parallel_loop3A_271], %parallel_loop3A_368 : memref<16384xf32, #tpu.memory_space<vmem>>[vector<16xi32>], vector<16xf32>,
        %parallel_loop3A_369 = arith.select %parallel_loop3A_360, %broadcast_in_dim3A_182, %broadcast_in_dim3A_184 : vector<16xi1>, vector<16xf32>
        tpu.vector_store_idx %arg7[%parallel_loop3A_272], %parallel_loop3A_369 : memref<16384xf32, #tpu.memory_space<vmem>>[vector<16xi32>], vector<16xf32>,
        %parallel_loop3A_370 = arith.select %parallel_loop3A_366, %broadcast_in_dim3A_182, %broadcast_in_dim3A_184 : vector<16xi1>, vector<16xf32>
        tpu.vector_store_idx %arg7[%parallel_loop3A_273], %parallel_loop3A_370 : memref<16384xf32, #tpu.memory_space<vmem>>[vector<16xi32>], vector<16xf32>,
        %parallel_loop3A_371 = arith.addi %parallel_loop3A_270, %broadcast_in_dim3A_186 : vector<16xi32>
        %parallel_loop3A_372 = arith.addi %parallel_loop3A_271, %broadcast_in_dim3A_186 : vector<16xi32>
        %parallel_loop3A_373 = arith.addi %parallel_loop3A_272, %broadcast_in_dim3A_186 : vector<16xi32>
        %parallel_loop3A_374 = arith.addi %parallel_loop3A_273, %broadcast_in_dim3A_186 : vector<16xi32>
        scf.yield %parallel_loop3A_371, %parallel_loop3A_372, %parallel_loop3A_373, %parallel_loop3A_374 : vector<16xi32>, vector<16xi32>, vector<16xi32>, vector<16xi32>
      } {sc.loop_unroll_factor = 8 : i64, sc.parallel_access}
      %add3A_200 = arith.constant 0 : i32
      %add3A_201 = arith.addi %mul3A_162, %add3A_200 : i32
      %mul3A_202 = arith.constant 16384 : i32
      %mul3A_203 = arith.muli %add3A_201, %mul3A_202 : i32
      %add3A_204 = arith.addi %mul3A_2, %mul3A_203 : i32
      %dma_start3A_205 = tpu.memref_slice %arg4[%add3A_204] : memref<16777216xf32, #tpu.memory_space<hbm>> -> memref<16384xf32, #tpu.memory_space<hbm>>
      %dma_start3A_206 = tpu.memref_slice %arg4[%add3A_204] : memref<16777216xf32, #tpu.memory_space<hbm>> -> memref<16384xf32, #tpu.memory_space<hbm>>
      tpu.enqueue_dma source(%arg7 : memref<16384xf32, #tpu.memory_space<vmem>>) target(%dma_start3A_206 : memref<16384xf32, #tpu.memory_space<hbm>>) target_semaphore(%arg12 : memref<!tpu.dma_semaphore, #tpu.memory_space<semaphore_mem>>)
      %add3A_207 = arith.constant 2 : i32
      %add3A_208 = arith.addi %mul3A_162, %add3A_207 : i32
      %add3A_209 = arith.constant 0 : i32
      %add3A_210 = arith.addi %add3A_208, %add3A_209 : i32
      %mul3A_211 = arith.constant 16384 : i32
      %mul3A_212 = arith.muli %add3A_210, %mul3A_211 : i32
      %add3A_213 = arith.addi %mul3A_2, %mul3A_212 : i32
      %dma_start3A_214 = tpu.memref_slice %arg2[%add3A_213] : memref<16777216xf32, #tpu.memory_space<hbm>> -> memref<16384xf32, #tpu.memory_space<hbm>>
      %dma_start3A_215 = tpu.memref_slice %arg2[%add3A_213] : memref<16777216xf32, #tpu.memory_space<hbm>> -> memref<16384xf32, #tpu.memory_space<hbm>>
      tpu.enqueue_dma source(%dma_start3A_215 : memref<16384xf32, #tpu.memory_space<hbm>>) target(%arg5 : memref<16384xf32, #tpu.memory_space<vmem>>) target_semaphore(%arg10 : memref<!tpu.dma_semaphore, #tpu.memory_space<semaphore_mem>>)
      %add3A_216 = arith.constant 1 : i32
      %add3A_217 = arith.addi %mul3A_162, %add3A_216 : i32
      %mul3A_218 = arith.constant 16384 : i32
      %mul3A_219 = arith.muli %add3A_217, %mul3A_218 : i32
      %add3A_220 = arith.addi %mul3A_2, %mul3A_219 : i32
      %dma_wait3A_221 = tpu.memref_slice %arg2[%add3A_220] : memref<16777216xf32, #tpu.memory_space<hbm>> -> memref<16384xf32, #tpu.memory_space<hbm>>
      %dma_wait3A_222 = tpu.memref_slice %arg2[%add3A_220] : memref<16777216xf32, #tpu.memory_space<hbm>> -> memref<16384xf32, #tpu.memory_space<hbm>>
      tpu.wait_dma2 semaphore(%arg11 : memref<!tpu.dma_semaphore, #tpu.memory_space<semaphore_mem>>) src(%dma_wait3A_222 : memref<16384xf32, #tpu.memory_space<hbm>>) dst(%arg6 : memref<16384xf32, #tpu.memory_space<vmem>>)
      %add3A_223 = arith.constant 1 : i32
      %add3A_224 = arith.addi %mul3A_162, %add3A_223 : i32
      %mul3A_225 = arith.constant 16384 : i32
      %mul3A_226 = arith.muli %add3A_224, %mul3A_225 : i32
      %add3A_227 = arith.addi %mul3A_2, %mul3A_226 : i32
      %dma_wait3A_228 = tpu.memref_slice %arg4[%add3A_227] : memref<16777216xf32, #tpu.memory_space<hbm>> -> memref<16384xf32, #tpu.memory_space<hbm>>
      %dma_wait3A_229 = tpu.memref_slice %arg4[%add3A_227] : memref<16777216xf32, #tpu.memory_space<hbm>> -> memref<16384xf32, #tpu.memory_space<hbm>>
      tpu.wait_dma2 semaphore(%arg13 : memref<!tpu.dma_semaphore, #tpu.memory_space<semaphore_mem>>) src(%arg8 : memref<16384xf32, #tpu.memory_space<vmem>>) dst(%dma_wait3A_229 : memref<16384xf32, #tpu.memory_space<hbm>>)
      %iota3A_230 = tpu.iota {dimensions = array<i32: 0>} : vector<16xi32>
      %mul3A_231 = arith.constant 4 : i32
      %mul3A_232 = vector.broadcast %mul3A_231 : i32 to vector<16xi32>
      %mul3A_233 = arith.muli %mul3A_232, %iota3A_230 : vector<16xi32>
      %broadcast_in_dim3A_234 = arith.constant 1.000000e+00 : f32
      %broadcast_in_dim3A_235 = vector.broadcast %broadcast_in_dim3A_234 : f32 to vector<16xf32>
      %broadcast_in_dim3A_236 = arith.constant 0.000000e+00 : f32
      %broadcast_in_dim3A_237 = vector.broadcast %broadcast_in_dim3A_236 : f32 to vector<16xf32>
      %broadcast_in_dim3A_238 = arith.constant 64 : i32
      %broadcast_in_dim3A_239 = vector.broadcast %broadcast_in_dim3A_238 : i32 to vector<16xi32>
      %add3A_240 = arith.constant 1 : i32
      %add3A_241 = vector.broadcast %add3A_240 : i32 to vector<16xi32>
      %add3A_242 = arith.addi %mul3A_233, %add3A_241 : vector<16xi32>
      %add3A_243 = arith.constant 2 : i32
      %add3A_244 = vector.broadcast %add3A_243 : i32 to vector<16xi32>
      %add3A_245 = arith.addi %mul3A_233, %add3A_244 : vector<16xi32>
      %add3A_246 = arith.constant 3 : i32
      %add3A_247 = vector.broadcast %add3A_246 : i32 to vector<16xi32>
      %add3A_248 = arith.addi %mul3A_233, %add3A_247 : vector<16xi32>
      %parallel_loop3A_249 = arith.constant 0 : i32
      %parallel_loop3A_250 = arith.constant 256 : i32
      %parallel_loop3A_251 = arith.constant 1 : i32
      %parallel_loop3A_252:4 = scf.for %parallel_loop3A_269 = %parallel_loop3A_249 to %parallel_loop3A_250 step %parallel_loop3A_251 iter_args(%parallel_loop3A_270 = %mul3A_233, %parallel_loop3A_271 = %add3A_242, %parallel_loop3A_272 = %add3A_245, %parallel_loop3A_273 = %add3A_248) -> (vector<16xi32>, vector<16xi32>, vector<16xi32>, vector<16xi32>)  : i32 {
        %parallel_loop3A_274 = arith.constant 8 : i32
        %parallel_loop3A_275 = arith.divsi %parallel_loop3A_269, %parallel_loop3A_274 : i32
        %parallel_loop3A_276 = arith.constant 0 : i32
        %parallel_loop3A_277 = arith.cmpi sgt, %parallel_loop3A_269, %parallel_loop3A_276 : i32
        %parallel_loop3A_278 = arith.extui %parallel_loop3A_277 : i1 to i32
        %parallel_loop3A_279 = arith.constant 0 : i32
        %parallel_loop3A_280 = arith.cmpi slt, %parallel_loop3A_269, %parallel_loop3A_279 : i32
        %parallel_loop3A_281 = arith.extui %parallel_loop3A_280 : i1 to i32
        %parallel_loop3A_282 = arith.subi %parallel_loop3A_278, %parallel_loop3A_281 : i32
        %parallel_loop3A_283 = arith.constant 0 : i32
        %parallel_loop3A_284 = arith.cmpi sgt, %parallel_loop3A_274, %parallel_loop3A_283 : i32
        %parallel_loop3A_285 = arith.extui %parallel_loop3A_284 : i1 to i32
        %parallel_loop3A_286 = arith.constant 0 : i32
        %parallel_loop3A_287 = arith.cmpi slt, %parallel_loop3A_274, %parallel_loop3A_286 : i32
        %parallel_loop3A_288 = arith.extui %parallel_loop3A_287 : i1 to i32
        %parallel_loop3A_289 = arith.subi %parallel_loop3A_285, %parallel_loop3A_288 : i32
        %parallel_loop3A_290 = arith.cmpi ne, %parallel_loop3A_282, %parallel_loop3A_289 : i32
        %parallel_loop3A_291 = arith.remsi %parallel_loop3A_269, %parallel_loop3A_274 : i32
        %parallel_loop3A_292 = arith.constant 0 : i32
        %parallel_loop3A_293 = arith.cmpi ne, %parallel_loop3A_291, %parallel_loop3A_292 : i32
        %parallel_loop3A_294 = arith.andi %parallel_loop3A_290, %parallel_loop3A_293 : i1
        %parallel_loop3A_295 = arith.constant 1 : i32
        %parallel_loop3A_296 = arith.subi %parallel_loop3A_275, %parallel_loop3A_295 : i32
        %parallel_loop3A_297 = arith.select %parallel_loop3A_294, %parallel_loop3A_296, %parallel_loop3A_275 : i32
        %parallel_loop3A_298 = arith.constant 512 : i32
        %parallel_loop3A_299 = arith.muli %parallel_loop3A_297, %parallel_loop3A_298 : i32
        %parallel_loop3A_300 = arith.constant 8 : i32
        %parallel_loop3A_301 = arith.constant 0 : i32
        %parallel_loop3A_302 = arith.cmpi eq, %parallel_loop3A_300, %parallel_loop3A_301 : i32
        %parallel_loop3A_303 = arith.constant 1 : i32
        %parallel_loop3A_304 = arith.select %parallel_loop3A_302, %parallel_loop3A_303, %parallel_loop3A_300 : i32
        %parallel_loop3A_305 = arith.remsi %parallel_loop3A_269, %parallel_loop3A_304 : i32
        %parallel_loop3A_306 = arith.constant 0 : i32
        %parallel_loop3A_307 = arith.cmpi ne, %parallel_loop3A_305, %parallel_loop3A_306 : i32
        %parallel_loop3A_308 = arith.constant 0 : i32
        %parallel_loop3A_309 = arith.cmpi slt, %parallel_loop3A_305, %parallel_loop3A_308 : i32
        %parallel_loop3A_310 = arith.constant 0 : i32
        %parallel_loop3A_311 = arith.cmpi slt, %parallel_loop3A_304, %parallel_loop3A_310 : i32
        %parallel_loop3A_312 = arith.xori %parallel_loop3A_309, %parallel_loop3A_311 : i1
        %parallel_loop3A_313 = arith.andi %parallel_loop3A_312, %parallel_loop3A_307 : i1
        %parallel_loop3A_314 = arith.addi %parallel_loop3A_305, %parallel_loop3A_304 : i32
        %parallel_loop3A_315 = arith.select %parallel_loop3A_313, %parallel_loop3A_314, %parallel_loop3A_305 : i32
        %parallel_loop3A_316 = arith.constant 16 : i32
        %parallel_loop3A_317 = arith.muli %parallel_loop3A_315, %parallel_loop3A_316 : i32
        %parallel_loop3A_318 = arith.addi %parallel_loop3A_299, %parallel_loop3A_317 : i32
        %parallel_loop3A_319 = arith.index_cast %parallel_loop3A_318 : i32 to index
        %parallel_loop3A_320 = tpu.vector_load %arg6[%parallel_loop3A_319] {strides = array<i32>} : memref<16384xf32, #tpu.memory_space<vmem>>, vector<16xf32>,
        %parallel_loop3A_321 = arith.divf %parallel_loop3A_320, %get3A_3 : vector<16xf32>
        %parallel_loop3A_322 = arith.constant 128 : i32
        %parallel_loop3A_323 = arith.addi %parallel_loop3A_318, %parallel_loop3A_322 : i32
        %parallel_loop3A_324 = arith.index_cast %parallel_loop3A_323 : i32 to index
        %parallel_loop3A_325 = tpu.vector_load %arg6[%parallel_loop3A_324] {strides = array<i32>} : memref<16384xf32, #tpu.memory_space<vmem>>, vector<16xf32>,
        %parallel_loop3A_326 = arith.divf %parallel_loop3A_325, %get3A_3 : vector<16xf32>
        %parallel_loop3A_327 = arith.constant 256 : i32
        %parallel_loop3A_328 = arith.addi %parallel_loop3A_318, %parallel_loop3A_327 : i32
        %parallel_loop3A_329 = arith.index_cast %parallel_loop3A_328 : i32 to index
        %parallel_loop3A_330 = tpu.vector_load %arg6[%parallel_loop3A_329] {strides = array<i32>} : memref<16384xf32, #tpu.memory_space<vmem>>, vector<16xf32>,
        %parallel_loop3A_331 = arith.divf %parallel_loop3A_330, %get3A_3 : vector<16xf32>
        %parallel_loop3A_332 = arith.constant 384 : i32
        %parallel_loop3A_333 = arith.addi %parallel_loop3A_318, %parallel_loop3A_332 : i32
        %parallel_loop3A_334 = arith.index_cast %parallel_loop3A_333 : i32 to index
        %parallel_loop3A_335 = tpu.vector_load %arg6[%parallel_loop3A_334] {strides = array<i32>} : memref<16384xf32, #tpu.memory_space<vmem>>, vector<16xf32>,
        %parallel_loop3A_336 = arith.divf %parallel_loop3A_335, %get3A_3 : vector<16xf32>
        %parallel_loop3A_337 = arith.cmpf oge, %parallel_loop3A_321, %parallel_loop3A_326 : vector<16xf32>
        %parallel_loop3A_338 = arith.cmpf oge, %parallel_loop3A_321, %parallel_loop3A_331 : vector<16xf32>
        %parallel_loop3A_339 = arith.cmpf oge, %parallel_loop3A_321, %parallel_loop3A_336 : vector<16xf32>
        %parallel_loop3A_340 = arith.cmpf oge, %parallel_loop3A_326, %parallel_loop3A_331 : vector<16xf32>
        %parallel_loop3A_341 = arith.cmpf oge, %parallel_loop3A_326, %parallel_loop3A_336 : vector<16xf32>
        %parallel_loop3A_342 = arith.cmpf oge, %parallel_loop3A_331, %parallel_loop3A_336 : vector<16xf32>
        %parallel_loop3A_343 = arith.andi %parallel_loop3A_337, %parallel_loop3A_338 : vector<16xi1>
        %parallel_loop3A_344 = arith.ori %parallel_loop3A_337, %parallel_loop3A_338 : vector<16xi1>
        %parallel_loop3A_345 = arith.andi %parallel_loop3A_339, %parallel_loop3A_344 : vector<16xi1>
        %parallel_loop3A_346 = arith.ori %parallel_loop3A_343, %parallel_loop3A_345 : vector<16xi1>
        %parallel_loop3A_347 = arith.constant dense<true> : vector<16xi1>
        %parallel_loop3A_348 = arith.xori %parallel_loop3A_337, %parallel_loop3A_347 : vector<16xi1>
        %parallel_loop3A_349 = arith.andi %parallel_loop3A_348, %parallel_loop3A_340 : vector<16xi1>
        %parallel_loop3A_350 = arith.ori %parallel_loop3A_348, %parallel_loop3A_340 : vector<16xi1>
        %parallel_loop3A_351 = arith.andi %parallel_loop3A_341, %parallel_loop3A_350 : vector<16xi1>
        %parallel_loop3A_352 = arith.ori %parallel_loop3A_349, %parallel_loop3A_351 : vector<16xi1>
        %parallel_loop3A_353 = arith.constant dense<true> : vector<16xi1>
        %parallel_loop3A_354 = arith.xori %parallel_loop3A_338, %parallel_loop3A_353 : vector<16xi1>
        %parallel_loop3A_355 = arith.constant dense<true> : vector<16xi1>
        %parallel_loop3A_356 = arith.xori %parallel_loop3A_340, %parallel_loop3A_355 : vector<16xi1>
        %parallel_loop3A_357 = arith.andi %parallel_loop3A_354, %parallel_loop3A_356 : vector<16xi1>
        %parallel_loop3A_358 = arith.ori %parallel_loop3A_354, %parallel_loop3A_356 : vector<16xi1>
        %parallel_loop3A_359 = arith.andi %parallel_loop3A_342, %parallel_loop3A_358 : vector<16xi1>
        %parallel_loop3A_360 = arith.ori %parallel_loop3A_357, %parallel_loop3A_359 : vector<16xi1>
        %parallel_loop3A_361 = arith.andi %parallel_loop3A_339, %parallel_loop3A_341 : vector<16xi1>
        %parallel_loop3A_362 = arith.ori %parallel_loop3A_339, %parallel_loop3A_341 : vector<16xi1>
        %parallel_loop3A_363 = arith.andi %parallel_loop3A_342, %parallel_loop3A_362 : vector<16xi1>
        %parallel_loop3A_364 = arith.ori %parallel_loop3A_361, %parallel_loop3A_363 : vector<16xi1>
        %parallel_loop3A_365 = arith.constant dense<true> : vector<16xi1>
        %parallel_loop3A_366 = arith.xori %parallel_loop3A_364, %parallel_loop3A_365 : vector<16xi1>
        %parallel_loop3A_367 = arith.select %parallel_loop3A_346, %broadcast_in_dim3A_235, %broadcast_in_dim3A_237 : vector<16xi1>, vector<16xf32>
        tpu.vector_store_idx %arg8[%parallel_loop3A_270], %parallel_loop3A_367 : memref<16384xf32, #tpu.memory_space<vmem>>[vector<16xi32>], vector<16xf32>,
        %parallel_loop3A_368 = arith.select %parallel_loop3A_352, %broadcast_in_dim3A_235, %broadcast_in_dim3A_237 : vector<16xi1>, vector<16xf32>
        tpu.vector_store_idx %arg8[%parallel_loop3A_271], %parallel_loop3A_368 : memref<16384xf32, #tpu.memory_space<vmem>>[vector<16xi32>], vector<16xf32>,
        %parallel_loop3A_369 = arith.select %parallel_loop3A_360, %broadcast_in_dim3A_235, %broadcast_in_dim3A_237 : vector<16xi1>, vector<16xf32>
        tpu.vector_store_idx %arg8[%parallel_loop3A_272], %parallel_loop3A_369 : memref<16384xf32, #tpu.memory_space<vmem>>[vector<16xi32>], vector<16xf32>,
        %parallel_loop3A_370 = arith.select %parallel_loop3A_366, %broadcast_in_dim3A_235, %broadcast_in_dim3A_237 : vector<16xi1>, vector<16xf32>
        tpu.vector_store_idx %arg8[%parallel_loop3A_273], %parallel_loop3A_370 : memref<16384xf32, #tpu.memory_space<vmem>>[vector<16xi32>], vector<16xf32>,
        %parallel_loop3A_371 = arith.addi %parallel_loop3A_270, %broadcast_in_dim3A_239 : vector<16xi32>
        %parallel_loop3A_372 = arith.addi %parallel_loop3A_271, %broadcast_in_dim3A_239 : vector<16xi32>
        %parallel_loop3A_373 = arith.addi %parallel_loop3A_272, %broadcast_in_dim3A_239 : vector<16xi32>
        %parallel_loop3A_374 = arith.addi %parallel_loop3A_273, %broadcast_in_dim3A_239 : vector<16xi32>
        scf.yield %parallel_loop3A_371, %parallel_loop3A_372, %parallel_loop3A_373, %parallel_loop3A_374 : vector<16xi32>, vector<16xi32>, vector<16xi32>, vector<16xi32>
      } {sc.loop_unroll_factor = 8 : i64, sc.parallel_access}
      %add3A_253 = arith.constant 1 : i32
      %add3A_254 = arith.addi %mul3A_162, %add3A_253 : i32
      %mul3A_255 = arith.constant 16384 : i32
      %mul3A_256 = arith.muli %add3A_254, %mul3A_255 : i32
      %add3A_257 = arith.addi %mul3A_2, %mul3A_256 : i32
      %dma_start3A_258 = tpu.memref_slice %arg4[%add3A_257] : memref<16777216xf32, #tpu.memory_space<hbm>> -> memref<16384xf32, #tpu.memory_space<hbm>>
      %dma_start3A_259 = tpu.memref_slice %arg4[%add3A_257] : memref<16777216xf32, #tpu.memory_space<hbm>> -> memref<16384xf32, #tpu.memory_space<hbm>>
      tpu.enqueue_dma source(%arg8 : memref<16384xf32, #tpu.memory_space<vmem>>) target(%dma_start3A_259 : memref<16384xf32, #tpu.memory_space<hbm>>) target_semaphore(%arg13 : memref<!tpu.dma_semaphore, #tpu.memory_space<semaphore_mem>>)
      %add3A_260 = arith.constant 2 : i32
      %add3A_261 = arith.addi %mul3A_162, %add3A_260 : i32
      %add3A_262 = arith.constant 1 : i32
      %add3A_263 = arith.addi %add3A_261, %add3A_262 : i32
      %mul3A_264 = arith.constant 16384 : i32
      %mul3A_265 = arith.muli %add3A_263, %mul3A_264 : i32
      %add3A_266 = arith.addi %mul3A_2, %mul3A_265 : i32
      %dma_start3A_267 = tpu.memref_slice %arg2[%add3A_266] : memref<16777216xf32, #tpu.memory_space<hbm>> -> memref<16384xf32, #tpu.memory_space<hbm>>
      %dma_start3A_268 = tpu.memref_slice %arg2[%add3A_266] : memref<16777216xf32, #tpu.memory_space<hbm>> -> memref<16384xf32, #tpu.memory_space<hbm>>
      tpu.enqueue_dma source(%dma_start3A_268 : memref<16384xf32, #tpu.memory_space<hbm>>) target(%arg6 : memref<16384xf32, #tpu.memory_space<vmem>>) target_semaphore(%arg11 : memref<!tpu.dma_semaphore, #tpu.memory_space<semaphore_mem>>)
    }
    %scan3A_81 = arith.constant 14 : i32
    %add3A_82 = arith.constant 491520 : i32
    %add3A_83 = arith.addi %mul3A_2, %add3A_82 : i32
    %dma_wait3A_84 = tpu.memref_slice %arg2[%add3A_83] : memref<16777216xf32, #tpu.memory_space<hbm>> -> memref<16384xf32, #tpu.memory_space<hbm>>
    %dma_wait3A_85 = tpu.memref_slice %arg2[%add3A_83] : memref<16777216xf32, #tpu.memory_space<hbm>> -> memref<16384xf32, #tpu.memory_space<hbm>>
    tpu.wait_dma2 semaphore(%arg10 : memref<!tpu.dma_semaphore, #tpu.memory_space<semaphore_mem>>) src(%dma_wait3A_85 : memref<16384xf32, #tpu.memory_space<hbm>>) dst(%arg5 : memref<16384xf32, #tpu.memory_space<vmem>>)
    %add3A_86 = arith.constant 491520 : i32
    %add3A_87 = arith.addi %mul3A_2, %add3A_86 : i32
    %dma_wait3A_88 = tpu.memref_slice %arg4[%add3A_87] : memref<16777216xf32, #tpu.memory_space<hbm>> -> memref<16384xf32, #tpu.memory_space<hbm>>
    %dma_wait3A_89 = tpu.memref_slice %arg4[%add3A_87] : memref<16777216xf32, #tpu.memory_space<hbm>> -> memref<16384xf32, #tpu.memory_space<hbm>>
    tpu.wait_dma2 semaphore(%arg12 : memref<!tpu.dma_semaphore, #tpu.memory_space<semaphore_mem>>) src(%arg7 : memref<16384xf32, #tpu.memory_space<vmem>>) dst(%dma_wait3A_89 : memref<16384xf32, #tpu.memory_space<hbm>>)
    %iota3A_90 = tpu.iota {dimensions = array<i32: 0>} : vector<16xi32>
    %mul3A_91 = arith.constant 4 : i32
    %mul3A_92 = vector.broadcast %mul3A_91 : i32 to vector<16xi32>
    %mul3A_93 = arith.muli %mul3A_92, %iota3A_90 : vector<16xi32>
    %broadcast_in_dim3A_94 = arith.constant 1.000000e+00 : f32
    %broadcast_in_dim3A_95 = vector.broadcast %broadcast_in_dim3A_94 : f32 to vector<16xf32>
    %broadcast_in_dim3A_96 = arith.constant 0.000000e+00 : f32
    %broadcast_in_dim3A_97 = vector.broadcast %broadcast_in_dim3A_96 : f32 to vector<16xf32>
    %broadcast_in_dim3A_98 = arith.constant 64 : i32
    %broadcast_in_dim3A_99 = vector.broadcast %broadcast_in_dim3A_98 : i32 to vector<16xi32>
    %add3A_100 = arith.constant 1 : i32
    %add3A_101 = vector.broadcast %add3A_100 : i32 to vector<16xi32>
    %add3A_102 = arith.addi %mul3A_93, %add3A_101 : vector<16xi32>
    %add3A_103 = arith.constant 2 : i32
    %add3A_104 = vector.broadcast %add3A_103 : i32 to vector<16xi32>
    %add3A_105 = arith.addi %mul3A_93, %add3A_104 : vector<16xi32>
    %add3A_106 = arith.constant 3 : i32
    %add3A_107 = vector.broadcast %add3A_106 : i32 to vector<16xi32>
    %add3A_108 = arith.addi %mul3A_93, %add3A_107 : vector<16xi32>
    %parallel_loop3A_109 = arith.constant 0 : i32
    %parallel_loop3A_110 = arith.constant 256 : i32
    %parallel_loop3A_111 = arith.constant 1 : i32
    %parallel_loop3A_112:4 = scf.for %parallel_loop3A_160 = %parallel_loop3A_109 to %parallel_loop3A_110 step %parallel_loop3A_111 iter_args(%parallel_loop3A_161 = %mul3A_93, %parallel_loop3A_162 = %add3A_102, %parallel_loop3A_163 = %add3A_105, %parallel_loop3A_164 = %add3A_108) -> (vector<16xi32>, vector<16xi32>, vector<16xi32>, vector<16xi32>)  : i32 {
      %parallel_loop3A_165 = arith.constant 8 : i32
      %parallel_loop3A_166 = arith.divsi %parallel_loop3A_160, %parallel_loop3A_165 : i32
      %parallel_loop3A_167 = arith.constant 0 : i32
      %parallel_loop3A_168 = arith.cmpi sgt, %parallel_loop3A_160, %parallel_loop3A_167 : i32
      %parallel_loop3A_169 = arith.extui %parallel_loop3A_168 : i1 to i32
      %parallel_loop3A_170 = arith.constant 0 : i32
      %parallel_loop3A_171 = arith.cmpi slt, %parallel_loop3A_160, %parallel_loop3A_170 : i32
      %parallel_loop3A_172 = arith.extui %parallel_loop3A_171 : i1 to i32
      %parallel_loop3A_173 = arith.subi %parallel_loop3A_169, %parallel_loop3A_172 : i32
      %parallel_loop3A_174 = arith.constant 0 : i32
      %parallel_loop3A_175 = arith.cmpi sgt, %parallel_loop3A_165, %parallel_loop3A_174 : i32
      %parallel_loop3A_176 = arith.extui %parallel_loop3A_175 : i1 to i32
      %parallel_loop3A_177 = arith.constant 0 : i32
      %parallel_loop3A_178 = arith.cmpi slt, %parallel_loop3A_165, %parallel_loop3A_177 : i32
      %parallel_loop3A_179 = arith.extui %parallel_loop3A_178 : i1 to i32
      %parallel_loop3A_180 = arith.subi %parallel_loop3A_176, %parallel_loop3A_179 : i32
      %parallel_loop3A_181 = arith.cmpi ne, %parallel_loop3A_173, %parallel_loop3A_180 : i32
      %parallel_loop3A_182 = arith.remsi %parallel_loop3A_160, %parallel_loop3A_165 : i32
      %parallel_loop3A_183 = arith.constant 0 : i32
      %parallel_loop3A_184 = arith.cmpi ne, %parallel_loop3A_182, %parallel_loop3A_183 : i32
      %parallel_loop3A_185 = arith.andi %parallel_loop3A_181, %parallel_loop3A_184 : i1
      %parallel_loop3A_186 = arith.constant 1 : i32
      %parallel_loop3A_187 = arith.subi %parallel_loop3A_166, %parallel_loop3A_186 : i32
      %parallel_loop3A_188 = arith.select %parallel_loop3A_185, %parallel_loop3A_187, %parallel_loop3A_166 : i32
      %parallel_loop3A_189 = arith.constant 512 : i32
      %parallel_loop3A_190 = arith.muli %parallel_loop3A_188, %parallel_loop3A_189 : i32
      %parallel_loop3A_191 = arith.constant 8 : i32
      %parallel_loop3A_192 = arith.constant 0 : i32
      %parallel_loop3A_193 = arith.cmpi eq, %parallel_loop3A_191, %parallel_loop3A_192 : i32
      %parallel_loop3A_194 = arith.constant 1 : i32
      %parallel_loop3A_195 = arith.select %parallel_loop3A_193, %parallel_loop3A_194, %parallel_loop3A_191 : i32
      %parallel_loop3A_196 = arith.remsi %parallel_loop3A_160, %parallel_loop3A_195 : i32
      %parallel_loop3A_197 = arith.constant 0 : i32
      %parallel_loop3A_198 = arith.cmpi ne, %parallel_loop3A_196, %parallel_loop3A_197 : i32
      %parallel_loop3A_199 = arith.constant 0 : i32
      %parallel_loop3A_200 = arith.cmpi slt, %parallel_loop3A_196, %parallel_loop3A_199 : i32
      %parallel_loop3A_201 = arith.constant 0 : i32
      %parallel_loop3A_202 = arith.cmpi slt, %parallel_loop3A_195, %parallel_loop3A_201 : i32
      %parallel_loop3A_203 = arith.xori %parallel_loop3A_200, %parallel_loop3A_202 : i1
      %parallel_loop3A_204 = arith.andi %parallel_loop3A_203, %parallel_loop3A_198 : i1
      %parallel_loop3A_205 = arith.addi %parallel_loop3A_196, %parallel_loop3A_195 : i32
      %parallel_loop3A_206 = arith.select %parallel_loop3A_204, %parallel_loop3A_205, %parallel_loop3A_196 : i32
      %parallel_loop3A_207 = arith.constant 16 : i32
      %parallel_loop3A_208 = arith.muli %parallel_loop3A_206, %parallel_loop3A_207 : i32
      %parallel_loop3A_209 = arith.addi %parallel_loop3A_190, %parallel_loop3A_208 : i32
      %parallel_loop3A_210 = arith.index_cast %parallel_loop3A_209 : i32 to index
      %parallel_loop3A_211 = tpu.vector_load %arg5[%parallel_loop3A_210] {strides = array<i32>} : memref<16384xf32, #tpu.memory_space<vmem>>, vector<16xf32>,
      %parallel_loop3A_212 = arith.divf %parallel_loop3A_211, %get3A_3 : vector<16xf32>
      %parallel_loop3A_213 = arith.constant 128 : i32
      %parallel_loop3A_214 = arith.addi %parallel_loop3A_209, %parallel_loop3A_213 : i32
      %parallel_loop3A_215 = arith.index_cast %parallel_loop3A_214 : i32 to index
      %parallel_loop3A_216 = tpu.vector_load %arg5[%parallel_loop3A_215] {strides = array<i32>} : memref<16384xf32, #tpu.memory_space<vmem>>, vector<16xf32>,
      %parallel_loop3A_217 = arith.divf %parallel_loop3A_216, %get3A_3 : vector<16xf32>
      %parallel_loop3A_218 = arith.constant 256 : i32
      %parallel_loop3A_219 = arith.addi %parallel_loop3A_209, %parallel_loop3A_218 : i32
      %parallel_loop3A_220 = arith.index_cast %parallel_loop3A_219 : i32 to index
      %parallel_loop3A_221 = tpu.vector_load %arg5[%parallel_loop3A_220] {strides = array<i32>} : memref<16384xf32, #tpu.memory_space<vmem>>, vector<16xf32>,
      %parallel_loop3A_222 = arith.divf %parallel_loop3A_221, %get3A_3 : vector<16xf32>
      %parallel_loop3A_223 = arith.constant 384 : i32
      %parallel_loop3A_224 = arith.addi %parallel_loop3A_209, %parallel_loop3A_223 : i32
      %parallel_loop3A_225 = arith.index_cast %parallel_loop3A_224 : i32 to index
      %parallel_loop3A_226 = tpu.vector_load %arg5[%parallel_loop3A_225] {strides = array<i32>} : memref<16384xf32, #tpu.memory_space<vmem>>, vector<16xf32>,
      %parallel_loop3A_227 = arith.divf %parallel_loop3A_226, %get3A_3 : vector<16xf32>
      %parallel_loop3A_228 = arith.cmpf oge, %parallel_loop3A_212, %parallel_loop3A_217 : vector<16xf32>
      %parallel_loop3A_229 = arith.cmpf oge, %parallel_loop3A_212, %parallel_loop3A_222 : vector<16xf32>
      %parallel_loop3A_230 = arith.cmpf oge, %parallel_loop3A_212, %parallel_loop3A_227 : vector<16xf32>
      %parallel_loop3A_231 = arith.cmpf oge, %parallel_loop3A_217, %parallel_loop3A_222 : vector<16xf32>
      %parallel_loop3A_232 = arith.cmpf oge, %parallel_loop3A_217, %parallel_loop3A_227 : vector<16xf32>
      %parallel_loop3A_233 = arith.cmpf oge, %parallel_loop3A_222, %parallel_loop3A_227 : vector<16xf32>
      %parallel_loop3A_234 = arith.andi %parallel_loop3A_228, %parallel_loop3A_229 : vector<16xi1>
      %parallel_loop3A_235 = arith.ori %parallel_loop3A_228, %parallel_loop3A_229 : vector<16xi1>
      %parallel_loop3A_236 = arith.andi %parallel_loop3A_230, %parallel_loop3A_235 : vector<16xi1>
      %parallel_loop3A_237 = arith.ori %parallel_loop3A_234, %parallel_loop3A_236 : vector<16xi1>
      %parallel_loop3A_238 = arith.constant dense<true> : vector<16xi1>
      %parallel_loop3A_239 = arith.xori %parallel_loop3A_228, %parallel_loop3A_238 : vector<16xi1>
      %parallel_loop3A_240 = arith.andi %parallel_loop3A_239, %parallel_loop3A_231 : vector<16xi1>
      %parallel_loop3A_241 = arith.ori %parallel_loop3A_239, %parallel_loop3A_231 : vector<16xi1>
      %parallel_loop3A_242 = arith.andi %parallel_loop3A_232, %parallel_loop3A_241 : vector<16xi1>
      %parallel_loop3A_243 = arith.ori %parallel_loop3A_240, %parallel_loop3A_242 : vector<16xi1>
      %parallel_loop3A_244 = arith.constant dense<true> : vector<16xi1>
      %parallel_loop3A_245 = arith.xori %parallel_loop3A_229, %parallel_loop3A_244 : vector<16xi1>
      %parallel_loop3A_246 = arith.constant dense<true> : vector<16xi1>
      %parallel_loop3A_247 = arith.xori %parallel_loop3A_231, %parallel_loop3A_246 : vector<16xi1>
      %parallel_loop3A_248 = arith.andi %parallel_loop3A_245, %parallel_loop3A_247 : vector<16xi1>
      %parallel_loop3A_249 = arith.ori %parallel_loop3A_245, %parallel_loop3A_247 : vector<16xi1>
      %parallel_loop3A_250 = arith.andi %parallel_loop3A_233, %parallel_loop3A_249 : vector<16xi1>
      %parallel_loop3A_251 = arith.ori %parallel_loop3A_248, %parallel_loop3A_250 : vector<16xi1>
      %parallel_loop3A_252 = arith.andi %parallel_loop3A_230, %parallel_loop3A_232 : vector<16xi1>
      %parallel_loop3A_253 = arith.ori %parallel_loop3A_230, %parallel_loop3A_232 : vector<16xi1>
      %parallel_loop3A_254 = arith.andi %parallel_loop3A_233, %parallel_loop3A_253 : vector<16xi1>
      %parallel_loop3A_255 = arith.ori %parallel_loop3A_252, %parallel_loop3A_254 : vector<16xi1>
      %parallel_loop3A_256 = arith.constant dense<true> : vector<16xi1>
      %parallel_loop3A_257 = arith.xori %parallel_loop3A_255, %parallel_loop3A_256 : vector<16xi1>
      %parallel_loop3A_258 = arith.select %parallel_loop3A_237, %broadcast_in_dim3A_95, %broadcast_in_dim3A_97 : vector<16xi1>, vector<16xf32>
      tpu.vector_store_idx %arg7[%parallel_loop3A_161], %parallel_loop3A_258 : memref<16384xf32, #tpu.memory_space<vmem>>[vector<16xi32>], vector<16xf32>,
      %parallel_loop3A_259 = arith.select %parallel_loop3A_243, %broadcast_in_dim3A_95, %broadcast_in_dim3A_97 : vector<16xi1>, vector<16xf32>
      tpu.vector_store_idx %arg7[%parallel_loop3A_162], %parallel_loop3A_259 : memref<16384xf32, #tpu.memory_space<vmem>>[vector<16xi32>], vector<16xf32>,
      %parallel_loop3A_260 = arith.select %parallel_loop3A_251, %broadcast_in_dim3A_95, %broadcast_in_dim3A_97 : vector<16xi1>, vector<16xf32>
      tpu.vector_store_idx %arg7[%parallel_loop3A_163], %parallel_loop3A_260 : memref<16384xf32, #tpu.memory_space<vmem>>[vector<16xi32>], vector<16xf32>,
      %parallel_loop3A_261 = arith.select %parallel_loop3A_257, %broadcast_in_dim3A_95, %broadcast_in_dim3A_97 : vector<16xi1>, vector<16xf32>
      tpu.vector_store_idx %arg7[%parallel_loop3A_164], %parallel_loop3A_261 : memref<16384xf32, #tpu.memory_space<vmem>>[vector<16xi32>], vector<16xf32>,
      %parallel_loop3A_262 = arith.addi %parallel_loop3A_161, %broadcast_in_dim3A_99 : vector<16xi32>
      %parallel_loop3A_263 = arith.addi %parallel_loop3A_162, %broadcast_in_dim3A_99 : vector<16xi32>
      %parallel_loop3A_264 = arith.addi %parallel_loop3A_163, %broadcast_in_dim3A_99 : vector<16xi32>
      %parallel_loop3A_265 = arith.addi %parallel_loop3A_164, %broadcast_in_dim3A_99 : vector<16xi32>
      scf.yield %parallel_loop3A_262, %parallel_loop3A_263, %parallel_loop3A_264, %parallel_loop3A_265 : vector<16xi32>, vector<16xi32>, vector<16xi32>, vector<16xi32>
    } {sc.loop_unroll_factor = 8 : i64, sc.parallel_access}
    %add3A_113 = arith.constant 491520 : i32
    %add3A_114 = arith.addi %mul3A_2, %add3A_113 : i32
    %dma_start3A_115 = tpu.memref_slice %arg4[%add3A_114] : memref<16777216xf32, #tpu.memory_space<hbm>> -> memref<16384xf32, #tpu.memory_space<hbm>>
    %dma_start3A_116 = tpu.memref_slice %arg4[%add3A_114] : memref<16777216xf32, #tpu.memory_space<hbm>> -> memref<16384xf32, #tpu.memory_space<hbm>>
    tpu.enqueue_dma source(%arg7 : memref<16384xf32, #tpu.memory_space<vmem>>) target(%dma_start3A_116 : memref<16384xf32, #tpu.memory_space<hbm>>) target_semaphore(%arg12 : memref<!tpu.dma_semaphore, #tpu.memory_space<semaphore_mem>>)
    %add3A_117 = arith.constant 507904 : i32
    %add3A_118 = arith.addi %mul3A_2, %add3A_117 : i32
    %dma_wait3A_119 = tpu.memref_slice %arg2[%add3A_118] : memref<16777216xf32, #tpu.memory_space<hbm>> -> memref<16384xf32, #tpu.memory_space<hbm>>
    %dma_wait3A_120 = tpu.memref_slice %arg2[%add3A_118] : memref<16777216xf32, #tpu.memory_space<hbm>> -> memref<16384xf32, #tpu.memory_space<hbm>>
    tpu.wait_dma2 semaphore(%arg11 : memref<!tpu.dma_semaphore, #tpu.memory_space<semaphore_mem>>) src(%dma_wait3A_120 : memref<16384xf32, #tpu.memory_space<hbm>>) dst(%arg6 : memref<16384xf32, #tpu.memory_space<vmem>>)
    %add3A_121 = arith.constant 507904 : i32
    %add3A_122 = arith.addi %mul3A_2, %add3A_121 : i32
    %dma_wait3A_123 = tpu.memref_slice %arg4[%add3A_122] : memref<16777216xf32, #tpu.memory_space<hbm>> -> memref<16384xf32, #tpu.memory_space<hbm>>
    %dma_wait3A_124 = tpu.memref_slice %arg4[%add3A_122] : memref<16777216xf32, #tpu.memory_space<hbm>> -> memref<16384xf32, #tpu.memory_space<hbm>>
    tpu.wait_dma2 semaphore(%arg13 : memref<!tpu.dma_semaphore, #tpu.memory_space<semaphore_mem>>) src(%arg8 : memref<16384xf32, #tpu.memory_space<vmem>>) dst(%dma_wait3A_124 : memref<16384xf32, #tpu.memory_space<hbm>>)
    %iota3A_125 = tpu.iota {dimensions = array<i32: 0>} : vector<16xi32>
    %mul3A_126 = arith.constant 4 : i32
    %mul3A_127 = vector.broadcast %mul3A_126 : i32 to vector<16xi32>
    %mul3A_128 = arith.muli %mul3A_127, %iota3A_125 : vector<16xi32>
    %broadcast_in_dim3A_129 = arith.constant 1.000000e+00 : f32
    %broadcast_in_dim3A_130 = vector.broadcast %broadcast_in_dim3A_129 : f32 to vector<16xf32>
    %broadcast_in_dim3A_131 = arith.constant 0.000000e+00 : f32
    %broadcast_in_dim3A_132 = vector.broadcast %broadcast_in_dim3A_131 : f32 to vector<16xf32>
    %broadcast_in_dim3A_133 = arith.constant 64 : i32
    %broadcast_in_dim3A_134 = vector.broadcast %broadcast_in_dim3A_133 : i32 to vector<16xi32>
    %add3A_135 = arith.constant 1 : i32
    %add3A_136 = vector.broadcast %add3A_135 : i32 to vector<16xi32>
    %add3A_137 = arith.addi %mul3A_128, %add3A_136 : vector<16xi32>
    %add3A_138 = arith.constant 2 : i32
    %add3A_139 = vector.broadcast %add3A_138 : i32 to vector<16xi32>
    %add3A_140 = arith.addi %mul3A_128, %add3A_139 : vector<16xi32>
    %add3A_141 = arith.constant 3 : i32
    %add3A_142 = vector.broadcast %add3A_141 : i32 to vector<16xi32>
    %add3A_143 = arith.addi %mul3A_128, %add3A_142 : vector<16xi32>
    %parallel_loop3A_144 = arith.constant 0 : i32
    %parallel_loop3A_145 = arith.constant 256 : i32
    %parallel_loop3A_146 = arith.constant 1 : i32
    %parallel_loop3A_147:4 = scf.for %parallel_loop3A_160 = %parallel_loop3A_144 to %parallel_loop3A_145 step %parallel_loop3A_146 iter_args(%parallel_loop3A_161 = %mul3A_128, %parallel_loop3A_162 = %add3A_137, %parallel_loop3A_163 = %add3A_140, %parallel_loop3A_164 = %add3A_143) -> (vector<16xi32>, vector<16xi32>, vector<16xi32>, vector<16xi32>)  : i32 {
      %parallel_loop3A_165 = arith.constant 8 : i32
      %parallel_loop3A_166 = arith.divsi %parallel_loop3A_160, %parallel_loop3A_165 : i32
      %parallel_loop3A_167 = arith.constant 0 : i32
      %parallel_loop3A_168 = arith.cmpi sgt, %parallel_loop3A_160, %parallel_loop3A_167 : i32
      %parallel_loop3A_169 = arith.extui %parallel_loop3A_168 : i1 to i32
      %parallel_loop3A_170 = arith.constant 0 : i32
      %parallel_loop3A_171 = arith.cmpi slt, %parallel_loop3A_160, %parallel_loop3A_170 : i32
      %parallel_loop3A_172 = arith.extui %parallel_loop3A_171 : i1 to i32
      %parallel_loop3A_173 = arith.subi %parallel_loop3A_169, %parallel_loop3A_172 : i32
      %parallel_loop3A_174 = arith.constant 0 : i32
      %parallel_loop3A_175 = arith.cmpi sgt, %parallel_loop3A_165, %parallel_loop3A_174 : i32
      %parallel_loop3A_176 = arith.extui %parallel_loop3A_175 : i1 to i32
      %parallel_loop3A_177 = arith.constant 0 : i32
      %parallel_loop3A_178 = arith.cmpi slt, %parallel_loop3A_165, %parallel_loop3A_177 : i32
      %parallel_loop3A_179 = arith.extui %parallel_loop3A_178 : i1 to i32
      %parallel_loop3A_180 = arith.subi %parallel_loop3A_176, %parallel_loop3A_179 : i32
      %parallel_loop3A_181 = arith.cmpi ne, %parallel_loop3A_173, %parallel_loop3A_180 : i32
      %parallel_loop3A_182 = arith.remsi %parallel_loop3A_160, %parallel_loop3A_165 : i32
      %parallel_loop3A_183 = arith.constant 0 : i32
      %parallel_loop3A_184 = arith.cmpi ne, %parallel_loop3A_182, %parallel_loop3A_183 : i32
      %parallel_loop3A_185 = arith.andi %parallel_loop3A_181, %parallel_loop3A_184 : i1
      %parallel_loop3A_186 = arith.constant 1 : i32
      %parallel_loop3A_187 = arith.subi %parallel_loop3A_166, %parallel_loop3A_186 : i32
      %parallel_loop3A_188 = arith.select %parallel_loop3A_185, %parallel_loop3A_187, %parallel_loop3A_166 : i32
      %parallel_loop3A_189 = arith.constant 512 : i32
      %parallel_loop3A_190 = arith.muli %parallel_loop3A_188, %parallel_loop3A_189 : i32
      %parallel_loop3A_191 = arith.constant 8 : i32
      %parallel_loop3A_192 = arith.constant 0 : i32
      %parallel_loop3A_193 = arith.cmpi eq, %parallel_loop3A_191, %parallel_loop3A_192 : i32
      %parallel_loop3A_194 = arith.constant 1 : i32
      %parallel_loop3A_195 = arith.select %parallel_loop3A_193, %parallel_loop3A_194, %parallel_loop3A_191 : i32
      %parallel_loop3A_196 = arith.remsi %parallel_loop3A_160, %parallel_loop3A_195 : i32
      %parallel_loop3A_197 = arith.constant 0 : i32
      %parallel_loop3A_198 = arith.cmpi ne, %parallel_loop3A_196, %parallel_loop3A_197 : i32
      %parallel_loop3A_199 = arith.constant 0 : i32
      %parallel_loop3A_200 = arith.cmpi slt, %parallel_loop3A_196, %parallel_loop3A_199 : i32
      %parallel_loop3A_201 = arith.constant 0 : i32
      %parallel_loop3A_202 = arith.cmpi slt, %parallel_loop3A_195, %parallel_loop3A_201 : i32
      %parallel_loop3A_203 = arith.xori %parallel_loop3A_200, %parallel_loop3A_202 : i1
      %parallel_loop3A_204 = arith.andi %parallel_loop3A_203, %parallel_loop3A_198 : i1
      %parallel_loop3A_205 = arith.addi %parallel_loop3A_196, %parallel_loop3A_195 : i32
      %parallel_loop3A_206 = arith.select %parallel_loop3A_204, %parallel_loop3A_205, %parallel_loop3A_196 : i32
      %parallel_loop3A_207 = arith.constant 16 : i32
      %parallel_loop3A_208 = arith.muli %parallel_loop3A_206, %parallel_loop3A_207 : i32
      %parallel_loop3A_209 = arith.addi %parallel_loop3A_190, %parallel_loop3A_208 : i32
      %parallel_loop3A_210 = arith.index_cast %parallel_loop3A_209 : i32 to index
      %parallel_loop3A_211 = tpu.vector_load %arg6[%parallel_loop3A_210] {strides = array<i32>} : memref<16384xf32, #tpu.memory_space<vmem>>, vector<16xf32>,
      %parallel_loop3A_212 = arith.divf %parallel_loop3A_211, %get3A_3 : vector<16xf32>
      %parallel_loop3A_213 = arith.constant 128 : i32
      %parallel_loop3A_214 = arith.addi %parallel_loop3A_209, %parallel_loop3A_213 : i32
      %parallel_loop3A_215 = arith.index_cast %parallel_loop3A_214 : i32 to index
      %parallel_loop3A_216 = tpu.vector_load %arg6[%parallel_loop3A_215] {strides = array<i32>} : memref<16384xf32, #tpu.memory_space<vmem>>, vector<16xf32>,
      %parallel_loop3A_217 = arith.divf %parallel_loop3A_216, %get3A_3 : vector<16xf32>
      %parallel_loop3A_218 = arith.constant 256 : i32
      %parallel_loop3A_219 = arith.addi %parallel_loop3A_209, %parallel_loop3A_218 : i32
      %parallel_loop3A_220 = arith.index_cast %parallel_loop3A_219 : i32 to index
      %parallel_loop3A_221 = tpu.vector_load %arg6[%parallel_loop3A_220] {strides = array<i32>} : memref<16384xf32, #tpu.memory_space<vmem>>, vector<16xf32>,
      %parallel_loop3A_222 = arith.divf %parallel_loop3A_221, %get3A_3 : vector<16xf32>
      %parallel_loop3A_223 = arith.constant 384 : i32
      %parallel_loop3A_224 = arith.addi %parallel_loop3A_209, %parallel_loop3A_223 : i32
      %parallel_loop3A_225 = arith.index_cast %parallel_loop3A_224 : i32 to index
      %parallel_loop3A_226 = tpu.vector_load %arg6[%parallel_loop3A_225] {strides = array<i32>} : memref<16384xf32, #tpu.memory_space<vmem>>, vector<16xf32>,
      %parallel_loop3A_227 = arith.divf %parallel_loop3A_226, %get3A_3 : vector<16xf32>
      %parallel_loop3A_228 = arith.cmpf oge, %parallel_loop3A_212, %parallel_loop3A_217 : vector<16xf32>
      %parallel_loop3A_229 = arith.cmpf oge, %parallel_loop3A_212, %parallel_loop3A_222 : vector<16xf32>
      %parallel_loop3A_230 = arith.cmpf oge, %parallel_loop3A_212, %parallel_loop3A_227 : vector<16xf32>
      %parallel_loop3A_231 = arith.cmpf oge, %parallel_loop3A_217, %parallel_loop3A_222 : vector<16xf32>
      %parallel_loop3A_232 = arith.cmpf oge, %parallel_loop3A_217, %parallel_loop3A_227 : vector<16xf32>
      %parallel_loop3A_233 = arith.cmpf oge, %parallel_loop3A_222, %parallel_loop3A_227 : vector<16xf32>
      %parallel_loop3A_234 = arith.andi %parallel_loop3A_228, %parallel_loop3A_229 : vector<16xi1>
      %parallel_loop3A_235 = arith.ori %parallel_loop3A_228, %parallel_loop3A_229 : vector<16xi1>
      %parallel_loop3A_236 = arith.andi %parallel_loop3A_230, %parallel_loop3A_235 : vector<16xi1>
      %parallel_loop3A_237 = arith.ori %parallel_loop3A_234, %parallel_loop3A_236 : vector<16xi1>
      %parallel_loop3A_238 = arith.constant dense<true> : vector<16xi1>
      %parallel_loop3A_239 = arith.xori %parallel_loop3A_228, %parallel_loop3A_238 : vector<16xi1>
      %parallel_loop3A_240 = arith.andi %parallel_loop3A_239, %parallel_loop3A_231 : vector<16xi1>
      %parallel_loop3A_241 = arith.ori %parallel_loop3A_239, %parallel_loop3A_231 : vector<16xi1>
      %parallel_loop3A_242 = arith.andi %parallel_loop3A_232, %parallel_loop3A_241 : vector<16xi1>
      %parallel_loop3A_243 = arith.ori %parallel_loop3A_240, %parallel_loop3A_242 : vector<16xi1>
      %parallel_loop3A_244 = arith.constant dense<true> : vector<16xi1>
      %parallel_loop3A_245 = arith.xori %parallel_loop3A_229, %parallel_loop3A_244 : vector<16xi1>
      %parallel_loop3A_246 = arith.constant dense<true> : vector<16xi1>
      %parallel_loop3A_247 = arith.xori %parallel_loop3A_231, %parallel_loop3A_246 : vector<16xi1>
      %parallel_loop3A_248 = arith.andi %parallel_loop3A_245, %parallel_loop3A_247 : vector<16xi1>
      %parallel_loop3A_249 = arith.ori %parallel_loop3A_245, %parallel_loop3A_247 : vector<16xi1>
      %parallel_loop3A_250 = arith.andi %parallel_loop3A_233, %parallel_loop3A_249 : vector<16xi1>
      %parallel_loop3A_251 = arith.ori %parallel_loop3A_248, %parallel_loop3A_250 : vector<16xi1>
      %parallel_loop3A_252 = arith.andi %parallel_loop3A_230, %parallel_loop3A_232 : vector<16xi1>
      %parallel_loop3A_253 = arith.ori %parallel_loop3A_230, %parallel_loop3A_232 : vector<16xi1>
      %parallel_loop3A_254 = arith.andi %parallel_loop3A_233, %parallel_loop3A_253 : vector<16xi1>
      %parallel_loop3A_255 = arith.ori %parallel_loop3A_252, %parallel_loop3A_254 : vector<16xi1>
      %parallel_loop3A_256 = arith.constant dense<true> : vector<16xi1>
      %parallel_loop3A_257 = arith.xori %parallel_loop3A_255, %parallel_loop3A_256 : vector<16xi1>
      %parallel_loop3A_258 = arith.select %parallel_loop3A_237, %broadcast_in_dim3A_130, %broadcast_in_dim3A_132 : vector<16xi1>, vector<16xf32>
      tpu.vector_store_idx %arg8[%parallel_loop3A_161], %parallel_loop3A_258 : memref<16384xf32, #tpu.memory_space<vmem>>[vector<16xi32>], vector<16xf32>,
      %parallel_loop3A_259 = arith.select %parallel_loop3A_243, %broadcast_in_dim3A_130, %broadcast_in_dim3A_132 : vector<16xi1>, vector<16xf32>
      tpu.vector_store_idx %arg8[%parallel_loop3A_162], %parallel_loop3A_259 : memref<16384xf32, #tpu.memory_space<vmem>>[vector<16xi32>], vector<16xf32>,
      %parallel_loop3A_260 = arith.select %parallel_loop3A_251, %broadcast_in_dim3A_130, %broadcast_in_dim3A_132 : vector<16xi1>, vector<16xf32>
      tpu.vector_store_idx %arg8[%parallel_loop3A_163], %parallel_loop3A_260 : memref<16384xf32, #tpu.memory_space<vmem>>[vector<16xi32>], vector<16xf32>,
      %parallel_loop3A_261 = arith.select %parallel_loop3A_257, %broadcast_in_dim3A_130, %broadcast_in_dim3A_132 : vector<16xi1>, vector<16xf32>
      tpu.vector_store_idx %arg8[%parallel_loop3A_164], %parallel_loop3A_261 : memref<16384xf32, #tpu.memory_space<vmem>>[vector<16xi32>], vector<16xf32>,
      %parallel_loop3A_262 = arith.addi %parallel_loop3A_161, %broadcast_in_dim3A_134 : vector<16xi32>
      %parallel_loop3A_263 = arith.addi %parallel_loop3A_162, %broadcast_in_dim3A_134 : vector<16xi32>
      %parallel_loop3A_264 = arith.addi %parallel_loop3A_163, %broadcast_in_dim3A_134 : vector<16xi32>
      %parallel_loop3A_265 = arith.addi %parallel_loop3A_164, %broadcast_in_dim3A_134 : vector<16xi32>
      scf.yield %parallel_loop3A_262, %parallel_loop3A_263, %parallel_loop3A_264, %parallel_loop3A_265 : vector<16xi32>, vector<16xi32>, vector<16xi32>, vector<16xi32>
    } {sc.loop_unroll_factor = 8 : i64, sc.parallel_access}
    %add3A_148 = arith.constant 507904 : i32
    %add3A_149 = arith.addi %mul3A_2, %add3A_148 : i32
    %dma_start3A_150 = tpu.memref_slice %arg4[%add3A_149] : memref<16777216xf32, #tpu.memory_space<hbm>> -> memref<16384xf32, #tpu.memory_space<hbm>>
    %dma_start3A_151 = tpu.memref_slice %arg4[%add3A_149] : memref<16777216xf32, #tpu.memory_space<hbm>> -> memref<16384xf32, #tpu.memory_space<hbm>>
    tpu.enqueue_dma source(%arg8 : memref<16384xf32, #tpu.memory_space<vmem>>) target(%dma_start3A_151 : memref<16384xf32, #tpu.memory_space<hbm>>) target_semaphore(%arg13 : memref<!tpu.dma_semaphore, #tpu.memory_space<semaphore_mem>>)
    %add3A_152 = arith.constant 491520 : i32
    %add3A_153 = arith.addi %mul3A_2, %add3A_152 : i32
    %dma_wait3A_154 = tpu.memref_slice %arg4[%add3A_153] : memref<16777216xf32, #tpu.memory_space<hbm>> -> memref<16384xf32, #tpu.memory_space<hbm>>
    %dma_wait3A_155 = tpu.memref_slice %arg4[%add3A_153] : memref<16777216xf32, #tpu.memory_space<hbm>> -> memref<16384xf32, #tpu.memory_space<hbm>>
    tpu.wait_dma2 semaphore(%arg12 : memref<!tpu.dma_semaphore, #tpu.memory_space<semaphore_mem>>) src(%arg7 : memref<16384xf32, #tpu.memory_space<vmem>>) dst(%dma_wait3A_155 : memref<16384xf32, #tpu.memory_space<hbm>>)
    %add3A_156 = arith.constant 507904 : i32
    %add3A_157 = arith.addi %mul3A_2, %add3A_156 : i32
    %dma_wait3A_158 = tpu.memref_slice %arg4[%add3A_157] : memref<16777216xf32, #tpu.memory_space<hbm>> -> memref<16384xf32, #tpu.memory_space<hbm>>
    %dma_wait3A_159 = tpu.memref_slice %arg4[%add3A_157] : memref<16777216xf32, #tpu.memory_space<hbm>> -> memref<16384xf32, #tpu.memory_space<hbm>>
    tpu.wait_dma2 semaphore(%arg13 : memref<!tpu.dma_semaphore, #tpu.memory_space<semaphore_mem>>) src(%arg8 : memref<16384xf32, #tpu.memory_space<vmem>>) dst(%dma_wait3A_159 : memref<16384xf32, #tpu.memory_space<hbm>>)
    return
  }
}

</mosaic_0001>

<sc_bundles>
// kernel: kernel.3.cloned.1.call-start
scs
__scs_entry_jumppad:
0x0: {  	(pc) =	sbr.rel $0x88, $3  }
0x1: {  	(tag) =	ssettag $0x0;
	lr =	simm.s32 $0x1  }
0x2: {  	[smem:$0x3F9F] =	sst lr;
	_ =	strace $0xD0000000  }
0x3: {  	_ = 	snop  }
0x4: {  	_ = 	snop  }
0x5: {  	_ = 	snop  }
0x6: {  	_ = 	snop  }
0x7: {  	_ = 	snop  }
__scs_overlays_trampoline_lowered:
0x8: {  	[smem:$0x3FAE] =	sst s0  }
0x9: {  	[smem:$0x3FAF] =	sst s1  }
0xa: {  	[smem:$0x3FB0] =	sst s2  }
0xb: {  	[smem:$0x3FB1] =	sst s3  }
0xc: {  	[smem:$0x3FB2] =	sst s4  }
0xd: {  	[smem:$0x3FB3] =	sst s5  }
0xe: {  	[smem:$0x3FB4] =	sst s6  }
0xf: {  	[smem:$0x3FB5] =	sst s7  }
0x10: {  	[smem:$0x3FB6] =	sst s8  }
0x11: {  	[smem:$0x3FB7] =	sst s9;
	s0 =	simm.s32 @!p0 $0x0  }
0x12: {  	s1 =	sld [smem:$0x3F9D];
	s0 =	simm.s32 @p0 $0x1  }
0x13: {  	[smem:$0x3FB8] =	sst s0;
	s0 =	simm.s32 @!p1 $0x0  }
0x14: {  	s2 =	sld [smem:$0x3F9C];
	s0 =	simm.s32 @p1 $0x1  }
0x15: {  	[smem:$0x3FB9] =	sst s0;
	s0 =	simm.s32 @!p2 $0x0  }
0x16: {  	s3 =	sld [smem:$0x3FDB];
	s0 =	simm.s32 @p2 $0x1  }
0x17: {  	s4 =	simm.s32 $0x1BF5;
	[smem:$0x3FBB] =	sst s0  }
0x18: {  	s0 =	sld [smem:$0x3F9E];
	_ =	swait.ge [sflag:s4], $0x0  }
0x19: {  	s7 =	sld [smem:$0x3F9F]  }
0x1a: {  	s8 =	sadd.s32 $0xFFFFE003, lr  }
0x1b: {  	s9 =	sadd.s32 $0xFFFFFEF7, lr;
	s5 =	simm.s32 $0xFFFFFFFF;
	p2 =	slt.u32 s8, $0xFFFFF086  }
0x1c: {  	p1 =	slt.u32 s9, $0xF7A;
	s5 =	simm.s32 @!p2 $0x0  }
0x1d: {  	s5 =	simm.s32 @p1 $0x1;
	p0 =	seq.s32 s7, s2  }
0x1e: {  	s7 =	smul.u32 @!p0 $0xF7A, s2;
	p2 =	seq.s32 @!p0 s5, $0x0  }
0x1f: {  	s9 =	smul.u32 $0xF7A, s1;
	s8 =	simm.s32 @!p0 $0x1BF5;
	p2 =	por !p2, p0  }
0x20: {  	[sflag:s8] =	ssyncset.s32 @!p0 $0xFFFFF086;
	s6 =	sadd.s32 @!p0 s3, s7;
	s7 =	simm.s32 @!p0 $0x108  }
0x21: {  	s3 =	sadd.s32 s3, s9;
	s6 =	sadd.s32 @!p0 $0x88, s6;
	s7 =	simm.s32 @p2 $0x1082  }
0x22: {  	[simem:s7], [sflag:s8] =	dma.local @!p0 [hbm:s6], $0xF7A  }
0x23: {  	s9 =	sor.u32 $0xD0000000, s2;
	s6 =	simm.s32 $0x108;
	_ =	swait.ge @!p0 [sflag:s8], $0x0  }
0x24: {  	s3 =	sadd.s32 $0x88, s3;
	s6 =	simm.s32 @!p1 $0x1082;
	[sflag:s4] =	ssyncset.s32 $0xFFFFF086  }
0x25: {  	[simem:s6], [sflag:s4] =	dma.local [hbm:s3], $0xF7A  }
0x26: {  	[smem:$0x3F9F] =	sst s1;
	(tag) =	ssettag s2;
	_ =	strace s9  }
0x27: {  	s1 =	sld [smem:$0x3FAF]  }
0x28: {  	s2 =	sld [smem:$0x3FB0]  }
0x29: {  	s4 =	sld [smem:$0x3FB2]  }
0x2a: {  	p0 =	seq.s32 s5, $0x0;
	s5 =	sld [smem:$0x3FB3]  }
0x2b: {  	s6 =	sld [smem:$0x3FB4]  }
0x2c: {  	s7 =	sld [smem:$0x3FB5]  }
0x2d: {  	s3 =	simm.s32 $0x108;
	s8 =	sld [smem:$0x3FB6]  }
0x2e: {  	s3 =	simm.s32 @!p0 $0x1082;
	s9 =	sld [smem:$0x3FB7]  }
0x2f: {  	lr =	sadd.s32 s0, s3;
	s0 =	sld [smem:$0x3FAE]  }
0x30: {  	s3 =	sld [smem:$0x3FB1]  }
0x31: {  	[smem:$0x3FBA] =	sst s10  }
0x32: {  	s10 =	sld [smem:$0x3FB8];
	_ =	sdelay $0x3  }
0x33: {  	p0 =	seq.s32 s10, $0x1;
	s10 =	sld [smem:$0x3FBA];
	_ =	sdelay $0x3  }
0x34: {  	[smem:$0x3FBA] =	sst s10  }
0x35: {  	s10 =	sld [smem:$0x3FB9];
	_ =	sdelay $0x3  }
0x36: {  	p1 =	seq.s32 s10, $0x1;
	s10 =	sld [smem:$0x3FBA];
	_ =	sdelay $0x3  }
0x37: {  	[smem:$0x3FBA] =	sst s10  }
0x38: {  	s10 =	sld [smem:$0x3FBB]  }
0x39: {  	_ = 	snop;
	(pc) =	sbr.ind lr, $3  }
0x3a: {  	_ = 	snop  }
0x3b: {  	_ = 	snop  }
0x3c: {  	p2 =	seq.s32 s10, $0x1;
	s10 =	sld [smem:$0x3FBA]  }
0x3d: {  	_ =	shalt  }
0x3e: {  	_ =	shalt  }
0x3f: {  	_ =	shalt  }
0x40: {  	_ =	shalt  }
0x41: {  	_ =	shalt  }
0x42: {  	_ =	shalt  }
0x43: {  	_ =	shalt  }
0x44: {  	_ =	shalt  }
0x45: {  	_ =	shalt  }
0x46: {  	_ =	shalt  }
0x47: {  	_ =	shalt  }
0x48: {  	_ =	shalt  }
0x49: {  	_ =	shalt  }
0x4a: {  	_ =	shalt  }
0x4b: {  	_ =	shalt  }
0x4c: {  	_ =	shalt  }
0x4d: {  	_ =	shalt  }
0x4e: {  	_ =	shalt  }
0x4f: {  	_ =	shalt  }
0x50: {  	_ =	shalt  }
0x51: {  	_ =	shalt  }
0x52: {  	_ =	shalt  }
0x53: {  	_ =	shalt  }
0x54: {  	_ =	shalt  }
0x55: {  	_ =	shalt  }
0x56: {  	_ =	shalt  }
0x57: {  	_ =	shalt  }
0x58: {  	_ =	shalt  }
0x59: {  	_ =	shalt  }
0x5a: {  	_ =	shalt  }
0x5b: {  	_ =	shalt  }
0x5c: {  	_ =	shalt  }
0x5d: {  	_ =	shalt  }
0x5e: {  	_ =	shalt  }
0x5f: {  	_ =	shalt  }
0x60: {  	_ =	shalt  }
0x61: {  	_ =	shalt  }
0x62: {  	_ =	shalt  }
0x63: {  	_ =	shalt  }
0x64: {  	_ =	shalt  }
0x65: {  	_ =	shalt  }
0x66: {  	_ =	shalt  }
0x67: {  	_ =	shalt  }
0x68: {  	_ =	shalt  }
0x69: {  	_ =	shalt  }
0x6a: {  	_ =	shalt  }
0x6b: {  	_ =	shalt  }
0x6c: {  	_ =	shalt  }
0x6d: {  	_ =	shalt  }
0x6e: {  	_ =	shalt  }
0x6f: {  	_ =	shalt  }
0x70: {  	_ =	shalt  }
0x71: {  	_ =	shalt  }
0x72: {  	_ =	shalt  }
0x73: {  	_ =	shalt  }
0x74: {  	_ =	shalt  }
0x75: {  	_ =	shalt  }
0x76: {  	_ =	shalt  }
0x77: {  	_ =	shalt  }
0x78: {  	_ =	shalt  }
0x79: {  	_ =	shalt  }
0x7a: {  	_ =	shalt  }
0x7b: {  	_ =	shalt  }
0x7c: {  	_ =	shalt  }
0x7d: {  	_ =	shalt  }
0x7e: {  	_ =	shalt  }
0x7f: {  	_ =	shalt  }
0x80: {  	_ =	shalt  }
0x81: {  	_ =	shalt  }
0x82: {  	_ =	shalt  }
0x83: {  	_ =	shalt  }
0x84: {  	_ =	shalt  }
0x85: {  	_ =	shalt  }
0x86: {  	_ =	shalt  }
0x87: {  	_ =	shalt  }
.Lfunc_end0:
.L_simem_size_0:
called_computation_lowered:
.L_overlay_start_0:
0x88: {  	s2 =	sld [smem:$0x3FD9]  }
0x89: {  	s3 =	sld [smem:$0x3FFE];
	_ =	sdelay $0x1  }
0x8a: {  	s1 =	srdreg.scid  }
0x8b: {  	s0 =	sand.u32 $0x1, s1  }
0x8c: {  	s17 =	sshll.u32 s0, $0xA;
	s2 =	sadd.s32 s3, s2  }
0x8d: {  	s2 =	sadd.s32 s2, s17  }
0x8e: {  	[smem:$0x3FC6] =	sst s2  }
0x8f: {  	_ = 	snop  }
0x90: {  	s2 =	sld [smem:$0x3FC9]  }
0x91: {  	s18 =	sld [smem:$0x3FD0];
	(tm) =	ssettm $0x1  }
0x92: {  	s4 =	sld [smem:$0x3FFB];
	_ =	sdelay $0x3  }
0x93: {  	_ =	strace s4  }
0x94: {  	s4 =	sld [smem:$0x3FFC];
	_ =	sdelay $0x3  }
0x95: {  	_ =	strace s4  }
0x96: {  	s4 =	sld [smem:$0x3FFD];
	_ =	sdelay $0x3  }
0x97: {  	_ =	strace s4  }
0x98: {  	_ =	strace $0x8FFFFFFF  }
0x99: {  	s19 =	sld [smem:$0x3FDB];
	_ =	sdelay $0x1  }
0x9a: {  	s5 =	simm.s32 $_scs_section_size  }
0x9b: {  	s6 =	simm.s32 $_size__tile_overlayer_lowered;
	s7 =	simm.s32 $_tile_overlayer_lowered  }
0x9c: {  	s22 =	simm.s32 $0x1BFF;
	s21 =	sshll.u32 s7, $0x1;
	s4 =	sadd.s32 s5, s19  }
0x9d: {  	s8 =	simm.s32 $0x0;
	s20 =	sshll.u32 s6, $0x1;
	s6 =	sadd.s32 s21, s4  }
0x9e: {  	[timem:s8], [sflag:s22] =	dma.local [hbm:s6], s20  }
0x9f: {  	_ =	swait.ge [sflag:s22], s20  }
0xa0: {  	s5 =	ssub.s32 $0x0, s20;
	[sflag:s22] =	ssyncset.done $0x0  }
0xa1: {  	[sflag:s22] =	ssyncadd.s32 s5;
	_ =	sdelay $0x1  }
0xa2: {  	s23 =	simm.s32 $0x1B8B  }
0xa3: {  	_ =	swait.ge [sflag:s23], $0x1  }
0xa4: {  	[sflag:s23] =	ssyncset.done $0x0  }
0xa5: {  	s25 =	simm.s32 $0x1B8E;
	s24 =	sld [smem:$0x3FFE];
	[sflag:s23] =	ssyncadd.s32 $0xFFFFFFFF  }
0xa6: {  	s26 =	simm.s32 $execute0_lowered;
	[smem:$0x3FD2] =	sst s25  }
0xa7: {  	s6 =	sshll.u32 s26, $0x1;
	_ =	strace $0x80000046;
	[dreg:$0x1] =	wrdreg $0xFFFFFFFF  }
0xa8: {  	s28 =	simm.s32 $_size_execute0_lowered;
	s4 =	sadd.s32 s4, s6;
	[dreg:$0x0] =	wrdreg $0x0  }
0xa9: {  	s6 =	sshll.u32 s28, $0x1;
	[dreg:$0x2] =	wrdreg s4  }
0xaa: {  	[dreg:$0x3] =	wrdreg s6  }
0xab: {  	[dreg:$0x4] =	wrdreg $0xC0  }
0xac: {  	_ =	task [dreg:s8], $0x5FFFF  }
0xad: {  	[dreg:$0x1] =	wrdreg $0xFFFFFFFF  }
0xae: {  	[dreg:$0x0] =	wrdreg $0x60  }
0xaf: {  	[dreg:$0x2] =	wrdreg s2  }
0xb0: {  	[dreg:$0x3] =	wrdreg s24  }
0xb1: {  	[dreg:$0x4] =	wrdreg s18  }
0xb2: {  	[dreg:$0x5] =	wrdreg $0x9  }
0xb3: {  	_ =	task.clear_ibuf [dreg:s8], $0x6FFFF;
	_ =	strace $0x90000046  }
0xb4: {  	s29 =	simm.s32 $0x9;
	_ =	strace $0x80000048  }
0xb5: {  	_ =	swait.ge [sflag:s29], $0x1  }
0xb6: {  	[sflag:s29] =	ssyncadd.s32 $0xFFFFFFFF  }
0xb7: {  	_ =	strace $0x90000048  }
0xb8: {  	_ =	sfence  }
0xb9: {  	s30 =	sld [smem:$0x0];
	_ =	sdelay $0x2  }
0xba: {  	s31 =	sshll.u32 s1, $0xD;
	s1 =	sshrl.u32 s1, $0x2  }
0xbb: {  	s3 =	sand.u32 $0x4000, s31;
	s1 =	sadd.s32 s1, s30  }
0xbc: {  	s0 =	sor.u32 s3, s0;
	s1 =	sshll.u32 s1, $0x11  }
0xbd: {  	s0 =	sor.u32 s1, s0  }
0xbe: {  	s0 =	sadd.s32 $0x8F2B, s0  }
0xbf: {  	[sflag:s0] =	ssyncadd.remote.s32 $0x1  }
0xc0: {  	_ =	sfence.sel $0xFFFF  }
0xc1: {  	[dreg:$0x0] =	wrdreg $0xFFFFFFFF;
	(pc) =	sbr.abs _section_cstart, $3  }
0xc2: {  	[dreg:$0x1] =	wrdreg $0xFFFFFFFF  }
0xc3: {  	_ =	task.clear_ibuf [dreg:s8], $0x2FFFF;
	_ =	strace $0x9FFFFFFF  }
0xc4: {  	(tm) =	ssettm $0x7FFFFFFF  }
0xc5: {  	_ =	shalt  }
tec
execute0_lowered:
.L_overlay_start_1:
0x0: {  	(tag) =	ssettag $0x1  }
0x1: {  	s1 =	rddreg [dreg:$0x0]  }
0x2: {  	s0 =	rddreg [dreg:$0x1]  }
0x3: {  	s3 =	rddreg [dreg:$0x2]  }
0x4: {  	s2 =	srdreg.scid;
	s5 =	stileid.u32  }
0x5: {  	s4 =	simm.s32 $0x0;
	s19 =	simm.s32 $0x5;
	s20 =	simm.s32 $0x4000  }
0x6: {  	s21 =	simm.s32 $0x1;
	s22 =	simm.s32 $0x8000;
	s23 =	simm.s32 $0x2  }
0x7: {  	s24 =	simm.s32 $0xC000;
	s25 =	simm.s32 $0x3;
	s26 =	simm.s32 $0x4  }
0x8: {  	s28 =	simm.s32 $0x0;
	s2 =	sand.u32 $0x1, s2;
	s5 =	sshll.u32 s5, $0x14  }
0x9: {  	[smem:$0x7FF] =	sst s4;
	s6 =	sshll.u32 s2, $0x13;
	s2 =	ssub.s32 $0x2, s2  }
0xa: {  	_ =	strace $0x80000047;
	s5 =	sor.u32 s6, s5;
	s7 =	sshrl.u32 s2, $0x1  }
0xb: {  	s6 =	sadd.s32 $0x400, s0;
	s9 =	sshrl.u32 s5, $0x3;
	s30 =	ssub.s32 s2, s7  }
0xc: {  	v0 =	vlaneseq.u32;
	s13 =	sor.u32 $0x8000, s5;
	s14 =	sor.u32 $0xC000, s5;
	s31 =	sor.u32 $0x800, s9  }
0xd: {  	v1 =	vmul.u32 $0x4, v0;
	s7 =	sadd.s32 s1, s9;
	s9 =	sadd.s32 s3, s9;
	s17 =	smax.u32 s30, $0x1  }
0xe: {  	v5 =	vimm.f32 $0.0e+00;
	v6 =	vimm.f32 $1.000000000e+00;
	s8 =	sadd.s32 s1, s31;
	s10 =	sadd.s32 $0x1000, s7;
	s11 =	sadd.s32 s3, s31  }
0xf: {  	v2 =	vor.u32 $0x1, v1;
	v3 =	vor.u32 $0x2, v1;
	v4 =	vor.u32 $0x3, v1;
	s12 =	sadd.s32 $0x1800, s7;
	s15 =	sadd.s32 $0xF000, s9;
	s16 =	sadd.s32 $0xF800, s9  }
.LBB2_1:
0x10: {  	s0 =	simm.s32 $0x10000  }
0x11: {  	[tilespmem:s0], [sflag:$0x5] =	stream.linear.gather [hbm4b:s6+s4], $0x80, $0x38;
	[tilespmem:$0x10080] =	vst v63  }
0x12: {  	_ =	swait.ge [sflag:s19], $0x80  }
0x13: {  	[sflag:s19] =	ssyncset.done $0x0  }
0x14: {  	[sflag:s19] =	ssyncadd.s32 $0xFFFFFF80  }
0x15: {  	v7 =	vld [tilespmem:$0x10000]  }
0x16: {  	[tilespmem:s4], [sflag:$0x1] =	stream.linear.gather [hbm4b:s7+s4], $0x4000, $0x38;
	[tilespmem:$0x10080] =	vst v63  }
0x17: {  	_ = 	snop  }
0x18: {  	[tilespmem:s20], [sflag:$0x2] =	stream.linear.gather [hbm4b:s8+s4], $0x4000, $0x38;
	[tilespmem:$0x10080] =	vst v63  }
0x19: {  	_ =	swait.ge [sflag:s21], $0x4000  }
0x1a: {  	(erf) = vrcp.f32 v7;
	_ =	sdelay $0x7  }
0x1b: {  	v8 =	vmov v4;
	[sflag:s21] =	ssyncset.done $0x0  }
0x1c: {  	s29 =	simm.s32 $0x100;
	v9 =	vmov v3;
	v10 =	vmov v2;
	v11 =	vmov v1;
	s0 =	simm.s32 $0xFFFFFFF8;
	[sflag:s21] =	ssyncadd.s32 $0xFFFFC000;
	v7 =	vpop (erf)  }
.LBB2_2:
0x1d: {  	v12 =	vld [tilespmem:s29+$0xFFFFFF00]  }
0x1e: {  	v13 =	vld [tilespmem:s29+$0xFFFFFF80]  }
0x1f: {  	v14 =	vld [tilespmem:s29+$0x0]  }
0x20: {  	v15 =	vld [tilespmem:s29+$0x80]  }
0x21: {  	v52 =	vld [tilespmem:s29+$0xFFFFFF10]  }
0x22: {  	v53 =	vld [tilespmem:s29+$0xFFFFFF90]  }
0x23: {  	v16 =	vld [tilespmem:s29+$0x10]  }
0x24: {  	v17 =	vld [tilespmem:s29+$0x90]  }
0x25: {  	v54 =	vld [tilespmem:s29+$0xFFFFFF20]  }
0x26: {  	v55 =	vld [tilespmem:s29+$0xFFFFFFA0]  }
0x27: {  	v20 =	vld [tilespmem:s29+$0x20]  }
0x28: {  	v21 =	vld [tilespmem:s29+$0xA0]  }
0x29: {  	v58 =	vld [tilespmem:s29+$0xFFFFFF30]  }
0x2a: {  	v59 =	vld [tilespmem:s29+$0xFFFFFFB0];
	v30 =	vadd.s32 $0x40, v10  }
0x2b: {  	v24 =	vld [tilespmem:s29+$0x30];
	v32 =	vadd.s32 $0x40, v9;
	v12 =	vmul.f32 v12, v7;
	v13 =	vmul.f32 v13, v7  }
0x2c: {  	v25 =	vld [tilespmem:s29+$0xB0];
	v33 =	vadd.s32 $0x40, v8;
	v14 =	vmul.f32 v14, v7;
	v15 =	vmul.f32 v15, v7  }
0x2d: {  	v29 =	vld [tilespmem:s29+$0xFFFFFF50];
	v34 =	vadd.s32 $0x80, v11;
	v18 =	vmul.f32 v52, v7;
	v19 =	vmul.f32 v53, v7  }
0x2e: {  	v31 =	vld [tilespmem:s29+$0x60];
	v36 =	vadd.s32 $0x80, v10;
	v16 =	vmul.f32 v16, v7;
	v17 =	vmul.f32 v17, v7  }
0x2f: {  	v35 =	vld [tilespmem:s29+$0xE0];
	v37 =	vadd.s32 $0x80, v9;
	v22 =	vmul.f32 v54, v7;
	v23 =	vmul.f32 v55, v7  }
0x30: {  	v38 =	vadd.s32 $0x80, v8;
	v20 =	vmul.f32 v20, v7;
	v21 =	vmul.f32 v21, v7  }
0x31: {  	v39 =	vadd.s32 $0xC0, v11;
	v26 =	vmul.f32 v58, v7;
	v27 =	vmul.f32 v59, v7  }
0x32: {  	v40 =	vadd.s32 $0xC0, v10;
	v24 =	vmul.f32 v24, v7;
	v25 =	vmul.f32 v25, v7  }
0x33: {  	v50 =	vmul.f32 v29, v7;
	v53 =	vadd.s32 $0x40, v11;
	v54 =	vadd.s32 $0xC0, v9  }
0x34: {  	v31 =	vmul.f32 v31, v7;
	v35 =	vmul.f32 v35, v7;
	v58 =	vadd.s32 $0x100, v11  }
0x35: {  	v59 =	vadd.s32 $0x100, v10;
	vm0 =	vge.f32 v12, v13;
	vm2 =	vge.f32 v12, v14  }
0x36: {  	vm4 =	vge.f32 v12, v15;
	vm5 =	vge.f32 v13, v14;
	vm7 =	vge.f32 v13, v15  }
0x37: {  	vm8 =	vge.f32 v14, v15;
	vm13 =	vge.f32 v19, v17;
	vm1 =	vmneg vm0  }
0x38: {  	vm3 =	vmneg vm2;
	vm6 =	vmneg vm5;
	vm9 =	vmand vm0, vm2  }
0x39: {  	vm0 =	vmor vm0, vm2;
	vm10 =	vmand vm4, vm7;
	vm14 =	vmor vm5, vm1  }
0x3a: {  	vm0 =	vmand vm4, vm0;
	vm1 =	vmand vm5, vm1;
	vm15 =	vmor vm3, vm6  }
0x3b: {  	vm3 =	vmand vm3, vm6;
	vm5 =	vge.f32 v19, v16;
	vm2 =	vmand vm7, vm14  }
0x3c: {  	vm0 =	vmor vm9, vm0;
	vm9 =	vmor vm4, vm7;
	vm4 =	vge.f32 v18, v17  }
0x3d: {  	vm12 =	vmneg vm5;
	vm14 =	vge.f32 v16, v17;
	vm7 =	vge.f32 v27, v25  }
0x3e: {  	vm1 =	vmor vm1, vm2;
	vm2 =	vmand vm8, vm15;
	vm11 =	vmand vm8, vm9  }
0x3f: {  	v15 =	vsel vm0, $0x3F800000, v5;
	vm0 =	vge.f32 v18, v19;
	vm9 =	vge.f32 v24, v25  }
0x40: {  	vm2 =	vmor vm3, vm2;
	vm3 =	vmor vm10, vm11;
	v14 =	vsel vm1, $0x3F800000, v5  }
0x41: {  	vm1 =	vmneg vm0;
	v13 =	vsel vm2, $0x3F800000, v5;
	v12 =	vsel vm3, $0x0, v6  }
0x42: {  	vm2 =	vge.f32 v18, v16;
	vm10 =	vmor vm5, vm1;
	vm1 =	vmand vm5, vm1  }
0x43: {  	vm5 =	vge.f32 v23, v20;
	vm3 =	vmneg vm2;
	vm15 =	vmand vm0, vm2  }
0x44: {  	vm0 =	vmor vm0, vm2;
	vm2 =	vmand vm13, vm10;
	vm6 =	vmneg vm5  }
0x45: {  	vm0 =	vmand vm4, vm0;
	vm1 =	vmor vm1, vm2;
	vm11 =	vmor vm3, vm12  }
0x46: {  	vm3 =	vmand vm3, vm12;
	vm12 =	vmor vm4, vm13;
	vm13 =	vmand vm4, vm13  }
0x47: {  	vm4 =	vge.f32 v22, v21;
	vm0 =	vmor vm15, vm0;
	vm2 =	vmand vm14, vm11  }
0x48: {  	vm14 =	vmand vm14, vm12;
	v56 =	vsel vm1, $0x3F800000, v5;
	vm15 =	vge.f32 v22, v20  }
0x49: {  	vm12 =	vge.f32 v23, v21;
	vm2 =	vmor vm3, vm2;
	vm3 =	vmor vm13, vm14  }
0x4a: {  	v19 =	vsel vm0, $0x3F800000, v5;
	vm0 =	vge.f32 v22, v23;
	vm13 =	vge.f32 v20, v21  }
0x4b: {  	v43 =	vld [tilespmem:s29+$0xFFFFFF40];
	vm11 =	vmor vm4, vm12;
	v17 =	vsel vm2, $0x3F800000, v5;
	v57 =	vsel vm3, $0x0, v6  }
0x4c: {  	v46 =	vld [tilespmem:s29+$0xC0];
	vm1 =	vmneg vm0;
	vm14 =	vmand vm0, vm15;
	vm0 =	vmor vm0, vm15  }
0x4d: {  	vm3 =	vmneg vm15;
	vm15 =	vmor vm5, vm1;
	vm0 =	vmand vm4, vm0  }
0x4e: {  	vm1 =	vmand vm5, vm1;
	vm10 =	vmor vm3, vm6;
	vm3 =	vmand vm3, vm6  }
0x4f: {  	[tilespmem:v53+s22+$0x0] =	vst.idx.msk $0xffff, v19;
	vm2 =	vmand vm12, vm15;
	vm0 =	vmor vm14, vm0;
	vm12 =	vmand vm4, vm12  }
0x50: {  	v44 =	vld [tilespmem:s29+$0xFFFFFFC0];
	vm14 =	vge.f32 v26, v27;
	vm15 =	vge.f32 v26, v24;
	vm4 =	vge.f32 v26, v25  }
0x51: {  	v45 =	vld [tilespmem:s29+$0x40];
	[tilespmem:v30+s22+$0x0] =	vst.idx.msk $0xffff, v56;
	v26 =	vmul.f32 v43, v7;
	v25 =	vmul.f32 v46, v7;
	v46 =	vadd.s32 $0x180, v10  }
0x52: {  	[tilespmem:v32+s22+$0x0] =	vst.idx.msk $0xffff, v17;
	vm1 =	vmor vm1, vm2;
	vm2 =	vmand vm13, vm10;
	vm13 =	vmand vm13, vm11  }
0x53: {  	v60 =	vsel vm0, $0x3F800000, v5;
	vm0 =	vmand vm14, vm15;
	[tilespmem:v33+s22+$0x0] =	vst.idx.msk $0xffff, v57;
	v57 =	vadd.s32 $0xC0, v8  }
0x54: {  	vm2 =	vmor vm3, vm2;
	vm3 =	vmor vm12, vm13;
	v61 =	vsel vm1, $0x3F800000, v5  }
0x55: {  	vm1 =	vmneg vm14;
	vm12 =	vge.f32 v27, v24;
	vm13 =	vmor vm14, vm15  }
0x56: {  	v27 =	vmul.f32 v44, v7;
	v24 =	vmul.f32 v45, v7;
	[tilespmem:v34+s22+$0x0] =	vst.idx.msk $0xffff, v60;
	v34 =	vadd.s32 $0x100, v8  }
0x57: {  	v45 =	vadd.s32 $0x180, v11;
	v62 =	vsel vm2, $0x3F800000, v5;
	v63 =	vsel vm3, $0x0, v6  }
0x58: {  	vm3 =	vmneg vm15;
	vm6 =	vmneg vm12;
	vm14 =	vmand vm4, vm13  }
0x59: {  	vm15 =	vmand vm12, vm1;
	vm1 =	vmor vm12, vm1;
	vm13 =	vmor vm4, vm7  }
0x5a: {  	v49 =	vld [tilespmem:s29+$0xD0];
	vm4 =	vmand vm4, vm7;
	[tilespmem:v36+s22+$0x0] =	vst.idx.msk $0xffff, v61;
	v36 =	vadd.s32 $0x140, v11;
	vm12 =	vmor vm3, vm6  }
0x5b: {  	v47 =	vld [tilespmem:s29+$0xFFFFFFD0];
	vm1 =	vmand vm7, vm1;
	vm6 =	vmand vm3, vm6;
	vm0 =	vmor vm0, vm14  }
0x5c: {  	v48 =	vld [tilespmem:s29+$0x50];
	vm7 =	vge.f32 v27, v24;
	vm11 =	vge.f32 v27, v25;
	vm5 =	vmand vm9, vm12  }
0x5d: {  	v52 =	vld [tilespmem:s29+$0xFFFFFFE0];
	vm3 =	vmor vm15, vm1;
	vm1 =	vmand vm9, vm13;
	v28 =	vsel vm0, $0x3F800000, v5  }
0x5e: {  	v33 =	vld [tilespmem:s29+$0xFFFFFFF0];
	[tilespmem:v37+s22+$0x0] =	vst.idx.msk $0xffff, v62;
	vm9 =	vge.f32 v26, v25;
	vm10 =	vmneg vm7;
	vm12 =	vge.f32 v24, v25  }
0x5f: {  	v25 =	vmul.f32 v49, v7;
	[tilespmem:v38+s22+$0x0] =	vst.idx.msk $0xffff, v63;
	v63 =	vadd.s32 $0x100, v9;
	v38 =	vadd.s32 $0x140, v10  }
0x60: {  	vm2 =	vmor vm6, vm5;
	vm6 =	vmor vm4, vm1;
	vm1 =	vge.f32 v26, v27  }
0x61: {  	vm4 =	vge.f32 v26, v24;
	v26 =	vmul.f32 v47, v7;
	v24 =	vmul.f32 v48, v7  }
0x62: {  	v41 =	vsel vm3, $0x3F800000, v5;
	v27 =	vmul.f32 v52, v7;
	[tilespmem:v39+s22+$0x0] =	vst.idx.msk $0xffff, v28;
	v39 =	vadd.s32 $0x140, v9  }
0x63: {  	v47 =	vmul.f32 v33, v7;
	v48 =	vadd.s32 $0x180, v9;
	vm0 =	vmneg vm1  }
0x64: {  	v62 =	vld [tilespmem:s29+$0xFFFFFF70];
	vm5 =	vmneg vm4;
	vm14 =	vmand vm1, vm4;
	vm1 =	vmor vm1, vm4  }
0x65: {  	v55 =	vsel vm2, $0x3F800000, v5;
	v42 =	vsel vm6, $0x0, v6;
	[tilespmem:v40+s22+$0x0] =	vst.idx.msk $0xffff, v41;
	v40 =	vadd.s32 $0x140, v8  }
0x66: {  	vm15 =	vmor vm7, vm0;
	vm1 =	vmand vm9, vm1;
	vm0 =	vmand vm7, vm0  }
0x67: {  	v51 =	vld [tilespmem:s29+$0xFFFFFF60];
	vm13 =	vmor vm5, vm10;
	vm4 =	vmand vm11, vm15;
	vm8 =	vmor vm14, vm1  }
0x68: {  	[tilespmem:v54+s22+$0x0] =	vst.idx.msk $0xffff, v55;
	vm14 =	vmand vm5, vm10;
	vm15 =	vmand vm9, vm11;
	vm10 =	vge.f32 v26, v24  }
0x69: {  	[tilespmem:v57+s22+$0x0] =	vst.idx.msk $0xffff, v42;
	v22 =	vmul.f32 v62, v7;
	v57 =	vadd.s32 $0x1C0, v10;
	vm7 =	vmor vm0, vm4  }
0x6a: {  	v37 =	vld [tilespmem:s29+$0xF0];
	vm0 =	vmand vm12, vm13;
	vm13 =	vmor vm9, vm11;
	vm11 =	vge.f32 v50, v25  }
0x6b: {  	v43 =	vsel vm8, $0x3F800000, v5;
	vm9 =	vmand vm12, vm13;
	vm5 =	vmor vm14, vm0  }
0x6c: {  	vm0 =	vge.f32 v50, v26;
	vm12 =	vge.f32 v26, v25;
	v26 =	vmul.f32 v51, v7  }
0x6d: {  	v56 =	vsel vm7, $0x3F800000, v5;
	[tilespmem:v58+s22+$0x0] =	vst.idx.msk $0xffff, v43;
	v51 =	vadd.s32 $0x180, v8;
	v58 =	vadd.s32 $0x1C0, v9  }
0x6e: {  	vm4 =	vmor vm15, vm9;
	vm1 =	vmneg vm0;
	vm9 =	vge.f32 v50, v24  }
0x6f: {  	v60 =	vsel vm5, $0x3F800000, v5;
	[tilespmem:v59+s22+$0x0] =	vst.idx.msk $0xffff, v56;
	v50 =	vmul.f32 v37, v7;
	v56 =	vadd.s32 $0x1C0, v11  }
0x70: {  	v59 =	vadd.s32 $0x1C0, v8;
	vm13 =	vmor vm0, vm9;
	vm0 =	vmand vm0, vm9  }
0x71: {  	vm14 =	vmor vm10, vm1;
	vm1 =	vmand vm10, vm1;
	vm10 =	vmneg vm10  }
0x72: {  	vm8 =	vge.f32 v26, v35;
	v61 =	vsel vm4, $0x0, v6;
	vm13 =	vmand vm11, vm13  }
0x73: {  	vm0 =	vmor vm0, vm13;
	vm13 =	vmand vm12, vm14;
	vm14 =	vmneg vm9  }
0x74: {  	vm1 =	vmor vm1, vm13;
	vm9 =	vmand vm14, vm10;
	vm13 =	vmor vm14, vm10  }
0x75: {  	vm10 =	vmand vm11, vm12;
	vm11 =	vmor vm11, vm12;
	vm14 =	vge.f32 v24, v25  }
0x76: {  	vm12 =	vge.f32 v26, v31;
	v41 =	vsel vm0, $0x3F800000, v5;
	vm2 =	vmand vm14, vm13  }
0x77: {  	vm3 =	vmand vm14, vm11;
	vm11 =	vge.f32 v26, v27;
	vm13 =	vge.f32 v31, v35  }
0x78: {  	vm6 =	vmor vm9, vm2;
	vm3 =	vmor vm10, vm3;
	vm7 =	vmneg vm11  }
0x79: {  	vm9 =	vmneg vm12;
	vm10 =	vge.f32 v27, v31;
	vm2 =	vmor vm11, vm12  }
0x7a: {  	vm11 =	vmand vm11, vm12;
	vm12 =	vmneg vm10;
	vm2 =	vmand vm8, vm2  }
0x7b: {  	vm2 =	vmor vm11, vm2;
	vm11 =	vmand vm10, vm7;
	vm7 =	vmor vm10, vm7  }
0x7c: {  	[tilespmem:v11+s22+$0x0] =	vst.idx.msk $0xffff, v15;
	vm10 =	vmand vm9, vm12;
	vm9 =	vmor vm9, vm12;
	vm12 =	vge.f32 v27, v35;
	v35 =	vld [tilespmem:s29+$0x70]  }
0x7d: {  	[tilespmem:v10+s22+$0x0] =	vst.idx.msk $0xffff, v14;
	vm0 =	vge.f32 v22, v50;
	v42 =	vsel vm1, $0x3F800000, v5;
	v43 =	vsel vm6, $0x3F800000, v5  }
0x7e: {  	[tilespmem:v9+s22+$0x0] =	vst.idx.msk $0xffff, v13;
	v44 =	vsel vm3, $0x0, v6;
	vm15 =	vmand vm12, vm7;
	vm14 =	vmand vm13, vm9  }
0x7f: {  	[tilespmem:v8+s22+$0x0] =	vst.idx.msk $0xffff, v12;
	v52 =	vsel vm2, $0x3F800000, v5;
	vm4 =	vmor vm11, vm15;
	vm5 =	vmor vm10, vm14  }
0x80: {  	[tilespmem:v63+s22+$0x0] =	vst.idx.msk $0xffff, v60;
	vm15 =	vmand vm8, vm12;
	vm8 =	vmor vm8, vm12;
	vm12 =	vge.f32 v22, v47  }
0x81: {  	[tilespmem:v34+s22+$0x0] =	vst.idx.msk $0xffff, v61;
	vm10 =	vmand vm13, vm8;
	v53 =	vsel vm4, $0x3F800000, v5;
	v49 =	vmul.f32 v35, v7  }
0x82: {  	[tilespmem:v36+s22+$0x0] =	vst.idx.msk $0xffff, v41;
	v54 =	vsel vm5, $0x3F800000, v5;
	vm11 =	vmor vm15, vm10;
	vm15 =	vge.f32 v47, v50  }
0x83: {  	[tilespmem:v38+s22+$0x0] =	vst.idx.msk $0xffff, v42;
	v55 =	vsel vm11, $0x0, v6;
	vm11 =	vmneg vm12;
	vm13 =	vge.f32 v22, v49  }
0x84: {  	[tilespmem:v39+s22+$0x0] =	vst.idx.msk $0xffff, v43;
	vm14 =	vge.f32 v47, v49;
	vm9 =	vge.f32 v49, v50;
	vm10 =	vmor vm12, vm13  }
0x85: {  	[tilespmem:v40+s22+$0x0] =	vst.idx.msk $0xffff, v44;
	vm6 =	vmand vm12, vm13;
	vm7 =	vmneg vm13;
	vm12 =	vmor vm14, vm11  }
0x86: {  	[tilespmem:v45+s22+$0x0] =	vst.idx.msk $0xffff, v52;
	vm5 =	vmand vm14, vm11;
	vm2 =	vmneg vm14;
	vm14 =	vmor vm0, vm15  }
0x87: {  	s0 =	sadd.s32 $0x8, s0;
	[tilespmem:v46+s22+$0x0] =	vst.idx.msk $0xffff, v53;
	vm3 =	vmand vm0, vm10;
	vm13 =	vmor vm7, vm2;
	vm2 =	vmand vm7, vm2  }
0x88: {  	p0 =	slt.u32 s0, $0xF8;
	[tilespmem:v48+s22+$0x0] =	vst.idx.msk $0xffff, v54;
	vm0 =	vmand vm0, vm15;
	vm3 =	vmor vm6, vm3;
	vm6 =	vmand vm15, vm12  }
.Ltmp0:
0x89: {  	[tilespmem:v51+s22+$0x0] =	vst.idx.msk $0xffff, v55;
	vm5 =	vmor vm5, vm6;
	vm6 =	vmand vm9, vm13;
	v60 =	vsel vm3, $0x3F800000, v5;
	(pc) =	sbr.rel @p0 .LBB2_2-.Ltmp0, $4  }
0x8a: {  	vm15 =	vmand vm9, vm14;
	vm2 =	vmor vm2, vm6;
	[tilespmem:v56+s22+$0x0] =	vst.idx.msk $0xffff, v60;
	v61 =	vsel vm5, $0x3F800000, v5  }
0x8b: {  	vm0 =	vmor vm0, vm15;
	[tilespmem:v57+s22+$0x0] =	vst.idx.msk $0xffff, v61;
	v62 =	vsel vm2, $0x3F800000, v5  }
0x8c: {  	v10 =	vadd.s32 $0x200, v10;
	v63 =	vsel vm0, $0x0, v6;
	[tilespmem:v58+s22+$0x0] =	vst.idx.msk $0xffff, v62  }
0x8d: {  	v9 =	vadd.s32 $0x200, v9;
	v11 =	vadd.s32 $0x200, v11;
	v8 =	vadd.s32 $0x200, v8;
	s29 =	sadd.s32 $0x200, s29;
	[tilespmem:v59+s22+$0x0] =	vst.idx.msk $0xffff, v63  }
0x8e: {  	[hbm4b:s9+s4] =	stream.linear.scatter [tilespmem:s22], [sflag:$0x3], $0x4000, $0x38;
	[tilespmem:$0x10080] =	vst v63  }
0x8f: {  	_ = 	snop  }
0x90: {  	[tilespmem:s4], [sflag:$0x1] =	stream.linear.gather [hbm4b:s10+s4], $0x4000, $0x38;
	[tilespmem:$0x10080] =	vst v63  }
0x91: {  	v8 =	vmul.u32 $0x4, v0;
	_ =	swait.ge [sflag:s23], $0x4000  }
0x92: {  	[sflag:s23] =	ssyncset.done $0x0  }
0x93: {  	s0 =	simm.s32 $0xFFFFFFF8;
	s2 =	simm.s32 $0x4100;
	v9 =	vor.u32 $0x1, v8;
	v10 =	vor.u32 $0x2, v8;
	v11 =	vor.u32 $0x3, v8;
	[sflag:s23] =	ssyncadd.s32 $0xFFFFC000  }
.LBB2_4:
0x94: {  	v12 =	vld [tilespmem:s2+$0xFFFFFF00]  }
0x95: {  	v13 =	vld [tilespmem:s2+$0xFFFFFF80]  }
0x96: {  	v14 =	vld [tilespmem:s2+$0x0]  }
0x97: {  	v15 =	vld [tilespmem:s2+$0x80]  }
0x98: {  	v52 =	vld [tilespmem:s2+$0xFFFFFF10]  }
0x99: {  	v53 =	vld [tilespmem:s2+$0xFFFFFF90]  }
0x9a: {  	v16 =	vld [tilespmem:s2+$0x10]  }
0x9b: {  	v17 =	vld [tilespmem:s2+$0x90]  }
0x9c: {  	v54 =	vld [tilespmem:s2+$0xFFFFFF20]  }
0x9d: {  	v55 =	vld [tilespmem:s2+$0xFFFFFFA0]  }
0x9e: {  	v20 =	vld [tilespmem:s2+$0x20]  }
0x9f: {  	v21 =	vld [tilespmem:s2+$0xA0]  }
0xa0: {  	v58 =	vld [tilespmem:s2+$0xFFFFFF30]  }
0xa1: {  	v59 =	vld [tilespmem:s2+$0xFFFFFFB0];
	v30 =	vadd.s32 $0x40, v9  }
0xa2: {  	v24 =	vld [tilespmem:s2+$0x30];
	v32 =	vadd.s32 $0x40, v10;
	v12 =	vmul.f32 v12, v7;
	v13 =	vmul.f32 v13, v7  }
0xa3: {  	v25 =	vld [tilespmem:s2+$0xB0];
	v33 =	vadd.s32 $0x40, v11;
	v14 =	vmul.f32 v14, v7;
	v15 =	vmul.f32 v15, v7  }
0xa4: {  	v29 =	vld [tilespmem:s2+$0xFFFFFF50];
	v34 =	vadd.s32 $0x80, v8;
	v18 =	vmul.f32 v52, v7;
	v19 =	vmul.f32 v53, v7  }
0xa5: {  	v31 =	vld [tilespmem:s2+$0x60];
	v36 =	vadd.s32 $0x80, v9;
	v16 =	vmul.f32 v16, v7;
	v17 =	vmul.f32 v17, v7  }
0xa6: {  	v35 =	vld [tilespmem:s2+$0xE0];
	v37 =	vadd.s32 $0x80, v10;
	v22 =	vmul.f32 v54, v7;
	v23 =	vmul.f32 v55, v7  }
0xa7: {  	v38 =	vadd.s32 $0x80, v11;
	v20 =	vmul.f32 v20, v7;
	v21 =	vmul.f32 v21, v7  }
0xa8: {  	v39 =	vadd.s32 $0xC0, v8;
	v26 =	vmul.f32 v58, v7;
	v27 =	vmul.f32 v59, v7  }
0xa9: {  	v40 =	vadd.s32 $0xC0, v9;
	v24 =	vmul.f32 v24, v7;
	v25 =	vmul.f32 v25, v7  }
0xaa: {  	v50 =	vmul.f32 v29, v7;
	v53 =	vadd.s32 $0x40, v8;
	v54 =	vadd.s32 $0xC0, v10  }
0xab: {  	v31 =	vmul.f32 v31, v7;
	v35 =	vmul.f32 v35, v7;
	v58 =	vadd.s32 $0x100, v8  }
0xac: {  	v59 =	vadd.s32 $0x100, v9;
	vm0 =	vge.f32 v12, v13;
	vm2 =	vge.f32 v12, v14  }
0xad: {  	vm4 =	vge.f32 v12, v15;
	vm5 =	vge.f32 v13, v14;
	vm7 =	vge.f32 v13, v15  }
0xae: {  	vm8 =	vge.f32 v14, v15;
	vm13 =	vge.f32 v19, v17;
	vm1 =	vmneg vm0  }
0xaf: {  	vm3 =	vmneg vm2;
	vm6 =	vmneg vm5;
	vm9 =	vmand vm0, vm2  }
0xb0: {  	vm0 =	vmor vm0, vm2;
	vm10 =	vmand vm4, vm7;
	vm14 =	vmor vm5, vm1  }
0xb1: {  	vm0 =	vmand vm4, vm0;
	vm1 =	vmand vm5, vm1;
	vm15 =	vmor vm3, vm6  }
0xb2: {  	vm3 =	vmand vm3, vm6;
	vm5 =	vge.f32 v19, v16;
	vm2 =	vmand vm7, vm14  }
0xb3: {  	vm0 =	vmor vm9, vm0;
	vm9 =	vmor vm4, vm7;
	vm4 =	vge.f32 v18, v17  }
0xb4: {  	vm12 =	vmneg vm5;
	vm14 =	vge.f32 v16, v17;
	vm7 =	vge.f32 v27, v25  }
0xb5: {  	vm1 =	vmor vm1, vm2;
	vm2 =	vmand vm8, vm15;
	vm11 =	vmand vm8, vm9  }
0xb6: {  	v15 =	vsel vm0, $0x3F800000, v5;
	vm0 =	vge.f32 v18, v19;
	vm9 =	vge.f32 v24, v25  }
0xb7: {  	vm2 =	vmor vm3, vm2;
	vm3 =	vmor vm10, vm11;
	v14 =	vsel vm1, $0x3F800000, v5  }
0xb8: {  	vm1 =	vmneg vm0;
	v13 =	vsel vm2, $0x3F800000, v5;
	v12 =	vsel vm3, $0x0, v6  }
0xb9: {  	vm2 =	vge.f32 v18, v16;
	vm10 =	vmor vm5, vm1;
	vm1 =	vmand vm5, vm1  }
0xba: {  	vm5 =	vge.f32 v23, v20;
	vm3 =	vmneg vm2;
	vm15 =	vmand vm0, vm2  }
0xbb: {  	vm0 =	vmor vm0, vm2;
	vm2 =	vmand vm13, vm10;
	vm6 =	vmneg vm5  }
0xbc: {  	vm0 =	vmand vm4, vm0;
	vm1 =	vmor vm1, vm2;
	vm11 =	vmor vm3, vm12  }
0xbd: {  	vm3 =	vmand vm3, vm12;
	vm12 =	vmor vm4, vm13;
	vm13 =	vmand vm4, vm13  }
0xbe: {  	vm4 =	vge.f32 v22, v21;
	vm0 =	vmor vm15, vm0;
	vm2 =	vmand vm14, vm11  }
0xbf: {  	vm14 =	vmand vm14, vm12;
	v56 =	vsel vm1, $0x3F800000, v5;
	vm15 =	vge.f32 v22, v20  }
0xc0: {  	vm12 =	vge.f32 v23, v21;
	vm2 =	vmor vm3, vm2;
	vm3 =	vmor vm13, vm14  }
0xc1: {  	v19 =	vsel vm0, $0x3F800000, v5;
	vm0 =	vge.f32 v22, v23;
	vm13 =	vge.f32 v20, v21  }
0xc2: {  	v43 =	vld [tilespmem:s2+$0xFFFFFF40];
	vm11 =	vmor vm4, vm12;
	v17 =	vsel vm2, $0x3F800000, v5;
	v57 =	vsel vm3, $0x0, v6  }
0xc3: {  	v46 =	vld [tilespmem:s2+$0xC0];
	vm1 =	vmneg vm0;
	vm14 =	vmand vm0, vm15;
	vm0 =	vmor vm0, vm15  }
0xc4: {  	vm3 =	vmneg vm15;
	vm15 =	vmor vm5, vm1;
	vm0 =	vmand vm4, vm0  }
0xc5: {  	vm1 =	vmand vm5, vm1;
	vm10 =	vmor vm3, vm6;
	vm3 =	vmand vm3, vm6  }
0xc6: {  	[tilespmem:v53+s24+$0x0] =	vst.idx.msk $0xffff, v19;
	vm2 =	vmand vm12, vm15;
	vm0 =	vmor vm14, vm0;
	vm12 =	vmand vm4, vm12  }
0xc7: {  	v44 =	vld [tilespmem:s2+$0xFFFFFFC0];
	vm14 =	vge.f32 v26, v27;
	vm15 =	vge.f32 v26, v24;
	vm4 =	vge.f32 v26, v25  }
0xc8: {  	v45 =	vld [tilespmem:s2+$0x40];
	[tilespmem:v30+s24+$0x0] =	vst.idx.msk $0xffff, v56;
	v26 =	vmul.f32 v43, v7;
	v25 =	vmul.f32 v46, v7;
	v46 =	vadd.s32 $0x180, v9  }
0xc9: {  	[tilespmem:v32+s24+$0x0] =	vst.idx.msk $0xffff, v17;
	vm1 =	vmor vm1, vm2;
	vm2 =	vmand vm13, vm10;
	vm13 =	vmand vm13, vm11  }
0xca: {  	v60 =	vsel vm0, $0x3F800000, v5;
	vm0 =	vmand vm14, vm15;
	[tilespmem:v33+s24+$0x0] =	vst.idx.msk $0xffff, v57;
	v57 =	vadd.s32 $0xC0, v11  }
0xcb: {  	vm2 =	vmor vm3, vm2;
	vm3 =	vmor vm12, vm13;
	v61 =	vsel vm1, $0x3F800000, v5  }
0xcc: {  	vm1 =	vmneg vm14;
	vm12 =	vge.f32 v27, v24;
	vm13 =	vmor vm14, vm15  }
0xcd: {  	v27 =	vmul.f32 v44, v7;
	v24 =	vmul.f32 v45, v7;
	[tilespmem:v34+s24+$0x0] =	vst.idx.msk $0xffff, v60;
	v34 =	vadd.s32 $0x100, v11  }
0xce: {  	v45 =	vadd.s32 $0x180, v8;
	v62 =	vsel vm2, $0x3F800000, v5;
	v63 =	vsel vm3, $0x0, v6  }
0xcf: {  	vm3 =	vmneg vm15;
	vm6 =	vmneg vm12;
	vm14 =	vmand vm4, vm13  }
0xd0: {  	vm15 =	vmand vm12, vm1;
	vm1 =	vmor vm12, vm1;
	vm13 =	vmor vm4, vm7  }
0xd1: {  	v49 =	vld [tilespmem:s2+$0xD0];
	vm4 =	vmand vm4, vm7;
	[tilespmem:v36+s24+$0x0] =	vst.idx.msk $0xffff, v61;
	v36 =	vadd.s32 $0x140, v8;
	vm12 =	vmor vm3, vm6  }
0xd2: {  	v47 =	vld [tilespmem:s2+$0xFFFFFFD0];
	vm1 =	vmand vm7, vm1;
	vm6 =	vmand vm3, vm6;
	vm0 =	vmor vm0, vm14  }
0xd3: {  	v48 =	vld [tilespmem:s2+$0x50];
	vm7 =	vge.f32 v27, v24;
	vm11 =	vge.f32 v27, v25;
	vm5 =	vmand vm9, vm12  }
0xd4: {  	v52 =	vld [tilespmem:s2+$0xFFFFFFE0];
	vm3 =	vmor vm15, vm1;
	vm1 =	vmand vm9, vm13;
	v28 =	vsel vm0, $0x3F800000, v5  }
0xd5: {  	v33 =	vld [tilespmem:s2+$0xFFFFFFF0];
	[tilespmem:v37+s24+$0x0] =	vst.idx.msk $0xffff, v62;
	vm9 =	vge.f32 v26, v25;
	vm10 =	vmneg vm7;
	vm12 =	vge.f32 v24, v25  }
0xd6: {  	v25 =	vmul.f32 v49, v7;
	[tilespmem:v38+s24+$0x0] =	vst.idx.msk $0xffff, v63;
	v63 =	vadd.s32 $0x100, v10;
	v38 =	vadd.s32 $0x140, v9  }
0xd7: {  	vm2 =	vmor vm6, vm5;
	vm6 =	vmor vm4, vm1;
	vm1 =	vge.f32 v26, v27  }
0xd8: {  	vm4 =	vge.f32 v26, v24;
	v26 =	vmul.f32 v47, v7;
	v24 =	vmul.f32 v48, v7  }
0xd9: {  	v41 =	vsel vm3, $0x3F800000, v5;
	v27 =	vmul.f32 v52, v7;
	[tilespmem:v39+s24+$0x0] =	vst.idx.msk $0xffff, v28;
	v39 =	vadd.s32 $0x140, v10  }
0xda: {  	v47 =	vmul.f32 v33, v7;
	v48 =	vadd.s32 $0x180, v10;
	vm0 =	vmneg vm1  }
0xdb: {  	v62 =	vld [tilespmem:s2+$0xFFFFFF70];
	vm5 =	vmneg vm4;
	vm14 =	vmand vm1, vm4;
	vm1 =	vmor vm1, vm4  }
0xdc: {  	v55 =	vsel vm2, $0x3F800000, v5;
	v42 =	vsel vm6, $0x0, v6;
	[tilespmem:v40+s24+$0x0] =	vst.idx.msk $0xffff, v41;
	v40 =	vadd.s32 $0x140, v11  }
0xdd: {  	vm15 =	vmor vm7, vm0;
	vm1 =	vmand vm9, vm1;
	vm0 =	vmand vm7, vm0  }
0xde: {  	v51 =	vld [tilespmem:s2+$0xFFFFFF60];
	vm13 =	vmor vm5, vm10;
	vm4 =	vmand vm11, vm15;
	vm8 =	vmor vm14, vm1  }
0xdf: {  	[tilespmem:v54+s24+$0x0] =	vst.idx.msk $0xffff, v55;
	vm14 =	vmand vm5, vm10;
	vm15 =	vmand vm9, vm11;
	vm10 =	vge.f32 v26, v24  }
0xe0: {  	[tilespmem:v57+s24+$0x0] =	vst.idx.msk $0xffff, v42;
	v22 =	vmul.f32 v62, v7;
	v57 =	vadd.s32 $0x1C0, v9;
	vm7 =	vmor vm0, vm4  }
0xe1: {  	v37 =	vld [tilespmem:s2+$0xF0];
	vm0 =	vmand vm12, vm13;
	vm13 =	vmor vm9, vm11;
	vm11 =	vge.f32 v50, v25  }
0xe2: {  	v43 =	vsel vm8, $0x3F800000, v5;
	vm9 =	vmand vm12, vm13;
	vm5 =	vmor vm14, vm0  }
0xe3: {  	vm0 =	vge.f32 v50, v26;
	vm12 =	vge.f32 v26, v25;
	v26 =	vmul.f32 v51, v7  }
0xe4: {  	v56 =	vsel vm7, $0x3F800000, v5;
	[tilespmem:v58+s24+$0x0] =	vst.idx.msk $0xffff, v43;
	v51 =	vadd.s32 $0x180, v11;
	v58 =	vadd.s32 $0x1C0, v10  }
0xe5: {  	vm4 =	vmor vm15, vm9;
	vm1 =	vmneg vm0;
	vm9 =	vge.f32 v50, v24  }
0xe6: {  	v60 =	vsel vm5, $0x3F800000, v5;
	[tilespmem:v59+s24+$0x0] =	vst.idx.msk $0xffff, v56;
	v50 =	vmul.f32 v37, v7;
	v56 =	vadd.s32 $0x1C0, v8  }
0xe7: {  	v59 =	vadd.s32 $0x1C0, v11;
	vm13 =	vmor vm0, vm9;
	vm0 =	vmand vm0, vm9  }
0xe8: {  	vm14 =	vmor vm10, vm1;
	vm1 =	vmand vm10, vm1;
	vm10 =	vmneg vm10  }
0xe9: {  	vm8 =	vge.f32 v26, v35;
	v61 =	vsel vm4, $0x0, v6;
	vm13 =	vmand vm11, vm13  }
0xea: {  	vm0 =	vmor vm0, vm13;
	vm13 =	vmand vm12, vm14;
	vm14 =	vmneg vm9  }
0xeb: {  	vm1 =	vmor vm1, vm13;
	vm9 =	vmand vm14, vm10;
	vm13 =	vmor vm14, vm10  }
0xec: {  	vm10 =	vmand vm11, vm12;
	vm11 =	vmor vm11, vm12;
	vm14 =	vge.f32 v24, v25  }
0xed: {  	vm12 =	vge.f32 v26, v31;
	v41 =	vsel vm0, $0x3F800000, v5;
	vm2 =	vmand vm14, vm13  }
0xee: {  	vm3 =	vmand vm14, vm11;
	vm11 =	vge.f32 v26, v27;
	vm13 =	vge.f32 v31, v35  }
0xef: {  	vm6 =	vmor vm9, vm2;
	vm3 =	vmor vm10, vm3;
	vm7 =	vmneg vm11  }
0xf0: {  	vm9 =	vmneg vm12;
	vm10 =	vge.f32 v27, v31;
	vm2 =	vmor vm11, vm12  }
0xf1: {  	vm11 =	vmand vm11, vm12;
	vm12 =	vmneg vm10;
	vm2 =	vmand vm8, vm2  }
0xf2: {  	vm2 =	vmor vm11, vm2;
	vm11 =	vmand vm10, vm7;
	vm7 =	vmor vm10, vm7  }
0xf3: {  	[tilespmem:v8+s24+$0x0] =	vst.idx.msk $0xffff, v15;
	vm10 =	vmand vm9, vm12;
	vm9 =	vmor vm9, vm12;
	vm12 =	vge.f32 v27, v35;
	v35 =	vld [tilespmem:s2+$0x70]  }
0xf4: {  	[tilespmem:v9+s24+$0x0] =	vst.idx.msk $0xffff, v14;
	vm0 =	vge.f32 v22, v50;
	v42 =	vsel vm1, $0x3F800000, v5;
	v43 =	vsel vm6, $0x3F800000, v5  }
0xf5: {  	[tilespmem:v10+s24+$0x0] =	vst.idx.msk $0xffff, v13;
	v44 =	vsel vm3, $0x0, v6;
	vm15 =	vmand vm12, vm7;
	vm14 =	vmand vm13, vm9  }
0xf6: {  	[tilespmem:v11+s24+$0x0] =	vst.idx.msk $0xffff, v12;
	v52 =	vsel vm2, $0x3F800000, v5;
	vm4 =	vmor vm11, vm15;
	vm5 =	vmor vm10, vm14  }
0xf7: {  	[tilespmem:v63+s24+$0x0] =	vst.idx.msk $0xffff, v60;
	vm15 =	vmand vm8, vm12;
	vm8 =	vmor vm8, vm12;
	vm12 =	vge.f32 v22, v47  }
0xf8: {  	[tilespmem:v34+s24+$0x0] =	vst.idx.msk $0xffff, v61;
	vm10 =	vmand vm13, vm8;
	v53 =	vsel vm4, $0x3F800000, v5;
	v49 =	vmul.f32 v35, v7  }
0xf9: {  	[tilespmem:v36+s24+$0x0] =	vst.idx.msk $0xffff, v41;
	v54 =	vsel vm5, $0x3F800000, v5;
	vm11 =	vmor vm15, vm10;
	vm15 =	vge.f32 v47, v50  }
0xfa: {  	[tilespmem:v38+s24+$0x0] =	vst.idx.msk $0xffff, v42;
	v55 =	vsel vm11, $0x0, v6;
	vm11 =	vmneg vm12;
	vm13 =	vge.f32 v22, v49  }
0xfb: {  	[tilespmem:v39+s24+$0x0] =	vst.idx.msk $0xffff, v43;
	vm14 =	vge.f32 v47, v49;
	vm9 =	vge.f32 v49, v50;
	vm10 =	vmor vm12, vm13  }
0xfc: {  	[tilespmem:v40+s24+$0x0] =	vst.idx.msk $0xffff, v44;
	vm6 =	vmand vm12, vm13;
	vm7 =	vmneg vm13;
	vm12 =	vmor vm14, vm11  }
0xfd: {  	[tilespmem:v45+s24+$0x0] =	vst.idx.msk $0xffff, v52;
	vm5 =	vmand vm14, vm11;
	vm2 =	vmneg vm14;
	vm14 =	vmor vm0, vm15  }
0xfe: {  	s0 =	sadd.s32 $0x8, s0;
	[tilespmem:v46+s24+$0x0] =	vst.idx.msk $0xffff, v53;
	vm3 =	vmand vm0, vm10;
	vm13 =	vmor vm7, vm2;
	vm2 =	vmand vm7, vm2  }
0xff: {  	p0 =	slt.u32 s0, $0xF8;
	[tilespmem:v48+s24+$0x0] =	vst.idx.msk $0xffff, v54;
	vm0 =	vmand vm0, vm15;
	vm3 =	vmor vm6, vm3;
	vm6 =	vmand vm15, vm12  }
.Ltmp1:
0x100: {  	[tilespmem:v51+s24+$0x0] =	vst.idx.msk $0xffff, v55;
	vm5 =	vmor vm5, vm6;
	vm6 =	vmand vm9, vm13;
	v60 =	vsel vm3, $0x3F800000, v5;
	(pc) =	sbr.rel @p0 .LBB2_4-.Ltmp1, $4  }
0x101: {  	vm15 =	vmand vm9, vm14;
	vm2 =	vmor vm2, vm6;
	[tilespmem:v56+s24+$0x0] =	vst.idx.msk $0xffff, v60;
	v61 =	vsel vm5, $0x3F800000, v5  }
0x102: {  	vm0 =	vmor vm0, vm15;
	[tilespmem:v57+s24+$0x0] =	vst.idx.msk $0xffff, v61;
	v62 =	vsel vm2, $0x3F800000, v5  }
0x103: {  	v9 =	vadd.s32 $0x200, v9;
	v63 =	vsel vm0, $0x0, v6;
	[tilespmem:v58+s24+$0x0] =	vst.idx.msk $0xffff, v62  }
0x104: {  	v10 =	vadd.s32 $0x200, v10;
	v8 =	vadd.s32 $0x200, v8;
	v11 =	vadd.s32 $0x200, v11;
	s2 =	sadd.s32 $0x200, s2;
	[tilespmem:v59+s24+$0x0] =	vst.idx.msk $0xffff, v63  }
0x105: {  	[hbm4b:s11+s4] =	stream.linear.scatter [tilespmem:s24], [sflag:$0x4], $0x4000, $0x38;
	[tilespmem:$0x10080] =	vst v63  }
0x106: {  	s29 =	simm.s32 $0x1  }
0x107: {  	[tilespmem:s20], [sflag:$0x2] =	stream.linear.gather [hbm4b:s12+s4], $0x4000, $0x38;
	[tilespmem:$0x10080] =	vst v63  }
.LBB2_6:
0x108: {  	_ =	swait.ge [sflag:s21], $0x4000  }
0x109: {  	[sflag:s21] =	ssyncset.done $0x0  }
0x10a: {  	s30 =	sshll.u32 s29, $0xF;
	[sflag:s21] =	ssyncadd.s32 $0xFFFFC000  }
0x10b: {  	v8 =	vmul.u32 $0x4, v0;
	s0 =	sor.u32 s5, s30;
	_ =	swait.ge [sflag:s25], $0x4000  }
0x10c: {  	s2 =	simm.s32 $0xFFFFFFF8;
	s31 =	sshrl.u32 s0, $0x3;
	[sflag:s25] =	ssyncset.done $0x0  }
0x10d: {  	s18 =	simm.s32 $0x100;
	v9 =	vor.u32 $0x1, v8;
	v10 =	vor.u32 $0x2, v8;
	v11 =	vor.u32 $0x3, v8;
	s0 =	sadd.s32 s3, s31;
	[sflag:s25] =	ssyncadd.s32 $0xFFFFC000  }
.LBB2_7:
0x10e: {  	v12 =	vld [tilespmem:s18+$0xFFFFFF00]  }
0x10f: {  	v13 =	vld [tilespmem:s18+$0xFFFFFF80]  }
0x110: {  	v14 =	vld [tilespmem:s18+$0x0]  }
0x111: {  	v15 =	vld [tilespmem:s18+$0x80]  }
0x112: {  	v52 =	vld [tilespmem:s18+$0xFFFFFF10]  }
0x113: {  	v53 =	vld [tilespmem:s18+$0xFFFFFF90]  }
0x114: {  	v16 =	vld [tilespmem:s18+$0x10]  }
0x115: {  	v17 =	vld [tilespmem:s18+$0x90]  }
0x116: {  	v54 =	vld [tilespmem:s18+$0xFFFFFF20]  }
0x117: {  	v55 =	vld [tilespmem:s18+$0xFFFFFFA0]  }
0x118: {  	v20 =	vld [tilespmem:s18+$0x20]  }
0x119: {  	v21 =	vld [tilespmem:s18+$0xA0]  }
0x11a: {  	v58 =	vld [tilespmem:s18+$0xFFFFFF30]  }
0x11b: {  	v59 =	vld [tilespmem:s18+$0xFFFFFFB0];
	v30 =	vadd.s32 $0x40, v9  }
0x11c: {  	v24 =	vld [tilespmem:s18+$0x30];
	v32 =	vadd.s32 $0x40, v10;
	v12 =	vmul.f32 v12, v7;
	v13 =	vmul.f32 v13, v7  }
0x11d: {  	v25 =	vld [tilespmem:s18+$0xB0];
	v33 =	vadd.s32 $0x40, v11;
	v14 =	vmul.f32 v14, v7;
	v15 =	vmul.f32 v15, v7  }
0x11e: {  	v29 =	vld [tilespmem:s18+$0xFFFFFF50];
	v34 =	vadd.s32 $0x80, v8;
	v18 =	vmul.f32 v52, v7;
	v19 =	vmul.f32 v53, v7  }
0x11f: {  	v31 =	vld [tilespmem:s18+$0x60];
	v36 =	vadd.s32 $0x80, v9;
	v16 =	vmul.f32 v16, v7;
	v17 =	vmul.f32 v17, v7  }
0x120: {  	v35 =	vld [tilespmem:s18+$0xE0];
	v37 =	vadd.s32 $0x80, v10;
	v22 =	vmul.f32 v54, v7;
	v23 =	vmul.f32 v55, v7  }
0x121: {  	v38 =	vadd.s32 $0x80, v11;
	v20 =	vmul.f32 v20, v7;
	v21 =	vmul.f32 v21, v7  }
0x122: {  	v39 =	vadd.s32 $0xC0, v8;
	v26 =	vmul.f32 v58, v7;
	v27 =	vmul.f32 v59, v7  }
0x123: {  	v40 =	vadd.s32 $0xC0, v9;
	v24 =	vmul.f32 v24, v7;
	v25 =	vmul.f32 v25, v7  }
0x124: {  	v50 =	vmul.f32 v29, v7;
	v53 =	vadd.s32 $0x40, v8;
	v54 =	vadd.s32 $0xC0, v10  }
0x125: {  	v31 =	vmul.f32 v31, v7;
	v35 =	vmul.f32 v35, v7;
	v58 =	vadd.s32 $0x100, v8  }
0x126: {  	v59 =	vadd.s32 $0x100, v9;
	vm0 =	vge.f32 v12, v13;
	vm2 =	vge.f32 v12, v14  }
0x127: {  	vm4 =	vge.f32 v12, v15;
	vm5 =	vge.f32 v13, v14;
	vm7 =	vge.f32 v13, v15  }
0x128: {  	vm8 =	vge.f32 v14, v15;
	vm13 =	vge.f32 v19, v17;
	vm1 =	vmneg vm0  }
0x129: {  	vm3 =	vmneg vm2;
	vm6 =	vmneg vm5;
	vm9 =	vmand vm0, vm2  }
0x12a: {  	vm0 =	vmor vm0, vm2;
	vm10 =	vmand vm4, vm7;
	vm14 =	vmor vm5, vm1  }
0x12b: {  	vm0 =	vmand vm4, vm0;
	vm1 =	vmand vm5, vm1;
	vm15 =	vmor vm3, vm6  }
0x12c: {  	vm3 =	vmand vm3, vm6;
	vm5 =	vge.f32 v19, v16;
	vm2 =	vmand vm7, vm14  }
0x12d: {  	vm0 =	vmor vm9, vm0;
	vm9 =	vmor vm4, vm7;
	vm4 =	vge.f32 v18, v17  }
0x12e: {  	vm12 =	vmneg vm5;
	vm14 =	vge.f32 v16, v17;
	vm7 =	vge.f32 v27, v25  }
0x12f: {  	vm1 =	vmor vm1, vm2;
	vm2 =	vmand vm8, vm15;
	vm11 =	vmand vm8, vm9  }
0x130: {  	v15 =	vsel vm0, $0x3F800000, v5;
	vm0 =	vge.f32 v18, v19;
	vm9 =	vge.f32 v24, v25  }
0x131: {  	vm2 =	vmor vm3, vm2;
	vm3 =	vmor vm10, vm11;
	v14 =	vsel vm1, $0x3F800000, v5  }
0x132: {  	vm1 =	vmneg vm0;
	v13 =	vsel vm2, $0x3F800000, v5;
	v12 =	vsel vm3, $0x0, v6  }
0x133: {  	vm2 =	vge.f32 v18, v16;
	vm10 =	vmor vm5, vm1;
	vm1 =	vmand vm5, vm1  }
0x134: {  	vm5 =	vge.f32 v23, v20;
	vm3 =	vmneg vm2;
	vm15 =	vmand vm0, vm2  }
0x135: {  	vm0 =	vmor vm0, vm2;
	vm2 =	vmand vm13, vm10;
	vm6 =	vmneg vm5  }
0x136: {  	vm0 =	vmand vm4, vm0;
	vm1 =	vmor vm1, vm2;
	vm11 =	vmor vm3, vm12  }
0x137: {  	vm3 =	vmand vm3, vm12;
	vm12 =	vmor vm4, vm13;
	vm13 =	vmand vm4, vm13  }
0x138: {  	vm4 =	vge.f32 v22, v21;
	vm0 =	vmor vm15, vm0;
	vm2 =	vmand vm14, vm11  }
0x139: {  	vm14 =	vmand vm14, vm12;
	v56 =	vsel vm1, $0x3F800000, v5;
	vm15 =	vge.f32 v22, v20  }
0x13a: {  	vm12 =	vge.f32 v23, v21;
	vm2 =	vmor vm3, vm2;
	vm3 =	vmor vm13, vm14  }
0x13b: {  	v19 =	vsel vm0, $0x3F800000, v5;
	vm0 =	vge.f32 v22, v23;
	vm13 =	vge.f32 v20, v21  }
0x13c: {  	v43 =	vld [tilespmem:s18+$0xFFFFFF40];
	vm11 =	vmor vm4, vm12;
	v17 =	vsel vm2, $0x3F800000, v5;
	v57 =	vsel vm3, $0x0, v6  }
0x13d: {  	v46 =	vld [tilespmem:s18+$0xC0];
	vm1 =	vmneg vm0;
	vm14 =	vmand vm0, vm15;
	vm0 =	vmor vm0, vm15  }
0x13e: {  	vm3 =	vmneg vm15;
	vm15 =	vmor vm5, vm1;
	vm0 =	vmand vm4, vm0  }
0x13f: {  	vm1 =	vmand vm5, vm1;
	vm10 =	vmor vm3, vm6;
	vm3 =	vmand vm3, vm6  }
0x140: {  	[tilespmem:v53+s22+$0x0] =	vst.idx.msk $0xffff, v19;
	vm2 =	vmand vm12, vm15;
	vm0 =	vmor vm14, vm0;
	vm12 =	vmand vm4, vm12  }
0x141: {  	v44 =	vld [tilespmem:s18+$0xFFFFFFC0];
	vm14 =	vge.f32 v26, v27;
	vm15 =	vge.f32 v26, v24;
	vm4 =	vge.f32 v26, v25  }
0x142: {  	v45 =	vld [tilespmem:s18+$0x40];
	[tilespmem:v30+s22+$0x0] =	vst.idx.msk $0xffff, v56;
	v26 =	vmul.f32 v43, v7;
	v25 =	vmul.f32 v46, v7;
	v46 =	vadd.s32 $0x180, v9  }
0x143: {  	[tilespmem:v32+s22+$0x0] =	vst.idx.msk $0xffff, v17;
	vm1 =	vmor vm1, vm2;
	vm2 =	vmand vm13, vm10;
	vm13 =	vmand vm13, vm11  }
0x144: {  	v60 =	vsel vm0, $0x3F800000, v5;
	vm0 =	vmand vm14, vm15;
	[tilespmem:v33+s22+$0x0] =	vst.idx.msk $0xffff, v57;
	v57 =	vadd.s32 $0xC0, v11  }
0x145: {  	vm2 =	vmor vm3, vm2;
	vm3 =	vmor vm12, vm13;
	v61 =	vsel vm1, $0x3F800000, v5  }
0x146: {  	vm1 =	vmneg vm14;
	vm12 =	vge.f32 v27, v24;
	vm13 =	vmor vm14, vm15  }
0x147: {  	v27 =	vmul.f32 v44, v7;
	v24 =	vmul.f32 v45, v7;
	[tilespmem:v34+s22+$0x0] =	vst.idx.msk $0xffff, v60;
	v34 =	vadd.s32 $0x100, v11  }
0x148: {  	v45 =	vadd.s32 $0x180, v8;
	v62 =	vsel vm2, $0x3F800000, v5;
	v63 =	vsel vm3, $0x0, v6  }
0x149: {  	vm3 =	vmneg vm15;
	vm6 =	vmneg vm12;
	vm14 =	vmand vm4, vm13  }
0x14a: {  	vm15 =	vmand vm12, vm1;
	vm1 =	vmor vm12, vm1;
	vm13 =	vmor vm4, vm7  }
0x14b: {  	v49 =	vld [tilespmem:s18+$0xD0];
	vm4 =	vmand vm4, vm7;
	[tilespmem:v36+s22+$0x0] =	vst.idx.msk $0xffff, v61;
	v36 =	vadd.s32 $0x140, v8;
	vm12 =	vmor vm3, vm6  }
0x14c: {  	v47 =	vld [tilespmem:s18+$0xFFFFFFD0];
	vm1 =	vmand vm7, vm1;
	vm6 =	vmand vm3, vm6;
	vm0 =	vmor vm0, vm14  }
0x14d: {  	v48 =	vld [tilespmem:s18+$0x50];
	vm7 =	vge.f32 v27, v24;
	vm11 =	vge.f32 v27, v25;
	vm5 =	vmand vm9, vm12  }
0x14e: {  	v52 =	vld [tilespmem:s18+$0xFFFFFFE0];
	vm3 =	vmor vm15, vm1;
	vm1 =	vmand vm9, vm13;
	v28 =	vsel vm0, $0x3F800000, v5  }
0x14f: {  	v33 =	vld [tilespmem:s18+$0xFFFFFFF0];
	[tilespmem:v37+s22+$0x0] =	vst.idx.msk $0xffff, v62;
	vm9 =	vge.f32 v26, v25;
	vm10 =	vmneg vm7;
	vm12 =	vge.f32 v24, v25  }
0x150: {  	v25 =	vmul.f32 v49, v7;
	[tilespmem:v38+s22+$0x0] =	vst.idx.msk $0xffff, v63;
	v63 =	vadd.s32 $0x100, v10;
	v38 =	vadd.s32 $0x140, v9  }
0x151: {  	vm2 =	vmor vm6, vm5;
	vm6 =	vmor vm4, vm1;
	vm1 =	vge.f32 v26, v27  }
0x152: {  	vm4 =	vge.f32 v26, v24;
	v26 =	vmul.f32 v47, v7;
	v24 =	vmul.f32 v48, v7  }
0x153: {  	v41 =	vsel vm3, $0x3F800000, v5;
	v27 =	vmul.f32 v52, v7;
	[tilespmem:v39+s22+$0x0] =	vst.idx.msk $0xffff, v28;
	v39 =	vadd.s32 $0x140, v10  }
0x154: {  	v47 =	vmul.f32 v33, v7;
	v48 =	vadd.s32 $0x180, v10;
	vm0 =	vmneg vm1  }
0x155: {  	v62 =	vld [tilespmem:s18+$0xFFFFFF70];
	vm5 =	vmneg vm4;
	vm14 =	vmand vm1, vm4;
	vm1 =	vmor vm1, vm4  }
0x156: {  	v55 =	vsel vm2, $0x3F800000, v5;
	v42 =	vsel vm6, $0x0, v6;
	[tilespmem:v40+s22+$0x0] =	vst.idx.msk $0xffff, v41;
	v40 =	vadd.s32 $0x140, v11  }
0x157: {  	vm15 =	vmor vm7, vm0;
	vm1 =	vmand vm9, vm1;
	vm0 =	vmand vm7, vm0  }
0x158: {  	v51 =	vld [tilespmem:s18+$0xFFFFFF60];
	vm13 =	vmor vm5, vm10;
	vm4 =	vmand vm11, vm15;
	vm8 =	vmor vm14, vm1  }
0x159: {  	[tilespmem:v54+s22+$0x0] =	vst.idx.msk $0xffff, v55;
	vm14 =	vmand vm5, vm10;
	vm15 =	vmand vm9, vm11;
	vm10 =	vge.f32 v26, v24  }
0x15a: {  	[tilespmem:v57+s22+$0x0] =	vst.idx.msk $0xffff, v42;
	v22 =	vmul.f32 v62, v7;
	v57 =	vadd.s32 $0x1C0, v9;
	vm7 =	vmor vm0, vm4  }
0x15b: {  	v37 =	vld [tilespmem:s18+$0xF0];
	vm0 =	vmand vm12, vm13;
	vm13 =	vmor vm9, vm11;
	vm11 =	vge.f32 v50, v25  }
0x15c: {  	v43 =	vsel vm8, $0x3F800000, v5;
	vm9 =	vmand vm12, vm13;
	vm5 =	vmor vm14, vm0  }
0x15d: {  	vm0 =	vge.f32 v50, v26;
	vm12 =	vge.f32 v26, v25;
	v26 =	vmul.f32 v51, v7  }
0x15e: {  	v56 =	vsel vm7, $0x3F800000, v5;
	[tilespmem:v58+s22+$0x0] =	vst.idx.msk $0xffff, v43;
	v51 =	vadd.s32 $0x180, v11;
	v58 =	vadd.s32 $0x1C0, v10  }
0x15f: {  	vm4 =	vmor vm15, vm9;
	vm1 =	vmneg vm0;
	vm9 =	vge.f32 v50, v24  }
0x160: {  	v60 =	vsel vm5, $0x3F800000, v5;
	[tilespmem:v59+s22+$0x0] =	vst.idx.msk $0xffff, v56;
	v50 =	vmul.f32 v37, v7;
	v56 =	vadd.s32 $0x1C0, v8  }
0x161: {  	v59 =	vadd.s32 $0x1C0, v11;
	vm13 =	vmor vm0, vm9;
	vm0 =	vmand vm0, vm9  }
0x162: {  	vm14 =	vmor vm10, vm1;
	vm1 =	vmand vm10, vm1;
	vm10 =	vmneg vm10  }
0x163: {  	vm8 =	vge.f32 v26, v35;
	v61 =	vsel vm4, $0x0, v6;
	vm13 =	vmand vm11, vm13  }
0x164: {  	vm0 =	vmor vm0, vm13;
	vm13 =	vmand vm12, vm14;
	vm14 =	vmneg vm9  }
0x165: {  	vm1 =	vmor vm1, vm13;
	vm9 =	vmand vm14, vm10;
	vm13 =	vmor vm14, vm10  }
0x166: {  	vm10 =	vmand vm11, vm12;
	vm11 =	vmor vm11, vm12;
	vm14 =	vge.f32 v24, v25  }
0x167: {  	vm12 =	vge.f32 v26, v31;
	v41 =	vsel vm0, $0x3F800000, v5;
	vm2 =	vmand vm14, vm13  }
0x168: {  	vm3 =	vmand vm14, vm11;
	vm11 =	vge.f32 v26, v27;
	vm13 =	vge.f32 v31, v35  }
0x169: {  	vm6 =	vmor vm9, vm2;
	vm3 =	vmor vm10, vm3;
	vm7 =	vmneg vm11  }
0x16a: {  	vm9 =	vmneg vm12;
	vm10 =	vge.f32 v27, v31;
	vm2 =	vmor vm11, vm12  }
0x16b: {  	vm11 =	vmand vm11, vm12;
	vm12 =	vmneg vm10;
	vm2 =	vmand vm8, vm2  }
0x16c: {  	vm2 =	vmor vm11, vm2;
	vm11 =	vmand vm10, vm7;
	vm7 =	vmor vm10, vm7  }
0x16d: {  	[tilespmem:v8+s22+$0x0] =	vst.idx.msk $0xffff, v15;
	vm10 =	vmand vm9, vm12;
	vm9 =	vmor vm9, vm12;
	vm12 =	vge.f32 v27, v35;
	v35 =	vld [tilespmem:s18+$0x70]  }
0x16e: {  	[tilespmem:v9+s22+$0x0] =	vst.idx.msk $0xffff, v14;
	vm0 =	vge.f32 v22, v50;
	v42 =	vsel vm1, $0x3F800000, v5;
	v43 =	vsel vm6, $0x3F800000, v5  }
0x16f: {  	[tilespmem:v10+s22+$0x0] =	vst.idx.msk $0xffff, v13;
	v44 =	vsel vm3, $0x0, v6;
	vm15 =	vmand vm12, vm7;
	vm14 =	vmand vm13, vm9  }
0x170: {  	[tilespmem:v11+s22+$0x0] =	vst.idx.msk $0xffff, v12;
	v52 =	vsel vm2, $0x3F800000, v5;
	vm4 =	vmor vm11, vm15;
	vm5 =	vmor vm10, vm14  }
0x171: {  	[tilespmem:v63+s22+$0x0] =	vst.idx.msk $0xffff, v60;
	vm15 =	vmand vm8, vm12;
	vm8 =	vmor vm8, vm12;
	vm12 =	vge.f32 v22, v47  }
0x172: {  	[tilespmem:v34+s22+$0x0] =	vst.idx.msk $0xffff, v61;
	vm10 =	vmand vm13, vm8;
	v53 =	vsel vm4, $0x3F800000, v5;
	v49 =	vmul.f32 v35, v7  }
0x173: {  	[tilespmem:v36+s22+$0x0] =	vst.idx.msk $0xffff, v41;
	v54 =	vsel vm5, $0x3F800000, v5;
	vm11 =	vmor vm15, vm10;
	vm15 =	vge.f32 v47, v50  }
0x174: {  	[tilespmem:v38+s22+$0x0] =	vst.idx.msk $0xffff, v42;
	v55 =	vsel vm11, $0x0, v6;
	vm11 =	vmneg vm12;
	vm13 =	vge.f32 v22, v49  }
0x175: {  	[tilespmem:v39+s22+$0x0] =	vst.idx.msk $0xffff, v43;
	vm14 =	vge.f32 v47, v49;
	vm9 =	vge.f32 v49, v50;
	vm10 =	vmor vm12, vm13  }
0x176: {  	[tilespmem:v40+s22+$0x0] =	vst.idx.msk $0xffff, v44;
	vm6 =	vmand vm12, vm13;
	vm7 =	vmneg vm13;
	vm12 =	vmor vm14, vm11  }
0x177: {  	[tilespmem:v45+s22+$0x0] =	vst.idx.msk $0xffff, v52;
	vm5 =	vmand vm14, vm11;
	vm2 =	vmneg vm14;
	vm14 =	vmor vm0, vm15  }
0x178: {  	s2 =	sadd.s32 $0x8, s2;
	[tilespmem:v46+s22+$0x0] =	vst.idx.msk $0xffff, v53;
	vm3 =	vmand vm0, vm10;
	vm13 =	vmor vm7, vm2;
	vm2 =	vmand vm7, vm2  }
0x179: {  	p0 =	slt.u32 s2, $0xF8;
	[tilespmem:v48+s22+$0x0] =	vst.idx.msk $0xffff, v54;
	vm0 =	vmand vm0, vm15;
	vm3 =	vmor vm6, vm3;
	vm6 =	vmand vm15, vm12  }
.Ltmp2:
0x17a: {  	[tilespmem:v51+s22+$0x0] =	vst.idx.msk $0xffff, v55;
	vm5 =	vmor vm5, vm6;
	vm6 =	vmand vm9, vm13;
	v60 =	vsel vm3, $0x3F800000, v5;
	(pc) =	sbr.rel @p0 .LBB2_7-.Ltmp2, $4  }
0x17b: {  	vm15 =	vmand vm9, vm14;
	vm2 =	vmor vm2, vm6;
	[tilespmem:v56+s22+$0x0] =	vst.idx.msk $0xffff, v60;
	v61 =	vsel vm5, $0x3F800000, v5  }
0x17c: {  	vm0 =	vmor vm0, vm15;
	[tilespmem:v57+s22+$0x0] =	vst.idx.msk $0xffff, v61;
	v62 =	vsel vm2, $0x3F800000, v5  }
0x17d: {  	v9 =	vadd.s32 $0x200, v9;
	v63 =	vsel vm0, $0x0, v6;
	[tilespmem:v58+s22+$0x0] =	vst.idx.msk $0xffff, v62  }
0x17e: {  	v10 =	vadd.s32 $0x200, v10;
	v8 =	vadd.s32 $0x200, v8;
	v11 =	vadd.s32 $0x200, v11;
	s18 =	sadd.s32 $0x200, s18;
	[tilespmem:v59+s22+$0x0] =	vst.idx.msk $0xffff, v63  }
0x17f: {  	[hbm4b:s0+s4] =	stream.linear.scatter [tilespmem:s22], [sflag:$0x3], $0x4000, $0x38;
	[tilespmem:$0x10080] =	vst v63  }
0x180: {  	s18 =	sadd.s32 s30, s13  }
0x181: {  	s0 =	sshrl.u32 s18, $0x3  }
0x182: {  	s0 =	sadd.s32 s1, s0  }
0x183: {  	[tilespmem:s4], [sflag:$0x1] =	stream.linear.gather [hbm4b:s0+s4], $0x4000, $0x38;
	[tilespmem:$0x10080] =	vst v63  }
0x184: {  	_ =	swait.ge [sflag:s23], $0x4000  }
0x185: {  	[sflag:s23] =	ssyncset.done $0x0  }
0x186: {  	[sflag:s23] =	ssyncadd.s32 $0xFFFFC000  }
0x187: {  	v8 =	vmul.u32 $0x4, v0;
	_ =	swait.ge [sflag:s26], $0x4000  }
0x188: {  	s31 =	sadd.s32 s31, s3;
	s2 =	simm.s32 $0xFFFFFFF8;
	[sflag:s26] =	ssyncset.done $0x0  }
0x189: {  	s18 =	simm.s32 $0x4100;
	v9 =	vor.u32 $0x1, v8;
	v10 =	vor.u32 $0x2, v8;
	v11 =	vor.u32 $0x3, v8;
	s0 =	sadd.s32 $0x800, s31;
	[sflag:s26] =	ssyncadd.s32 $0xFFFFC000  }
.LBB2_9:
0x18a: {  	v12 =	vld [tilespmem:s18+$0xFFFFFF00]  }
0x18b: {  	v13 =	vld [tilespmem:s18+$0xFFFFFF80]  }
0x18c: {  	v14 =	vld [tilespmem:s18+$0x0]  }
0x18d: {  	v15 =	vld [tilespmem:s18+$0x80]  }
0x18e: {  	v52 =	vld [tilespmem:s18+$0xFFFFFF10]  }
0x18f: {  	v53 =	vld [tilespmem:s18+$0xFFFFFF90]  }
0x190: {  	v16 =	vld [tilespmem:s18+$0x10]  }
0x191: {  	v17 =	vld [tilespmem:s18+$0x90]  }
0x192: {  	v54 =	vld [tilespmem:s18+$0xFFFFFF20]  }
0x193: {  	v55 =	vld [tilespmem:s18+$0xFFFFFFA0]  }
0x194: {  	v20 =	vld [tilespmem:s18+$0x20]  }
0x195: {  	v21 =	vld [tilespmem:s18+$0xA0]  }
0x196: {  	v58 =	vld [tilespmem:s18+$0xFFFFFF30]  }
0x197: {  	v59 =	vld [tilespmem:s18+$0xFFFFFFB0];
	v30 =	vadd.s32 $0x40, v9  }
0x198: {  	v24 =	vld [tilespmem:s18+$0x30];
	v32 =	vadd.s32 $0x40, v10;
	v12 =	vmul.f32 v12, v7;
	v13 =	vmul.f32 v13, v7  }
0x199: {  	v25 =	vld [tilespmem:s18+$0xB0];
	v33 =	vadd.s32 $0x40, v11;
	v14 =	vmul.f32 v14, v7;
	v15 =	vmul.f32 v15, v7  }
0x19a: {  	v29 =	vld [tilespmem:s18+$0xFFFFFF50];
	v34 =	vadd.s32 $0x80, v8;
	v18 =	vmul.f32 v52, v7;
	v19 =	vmul.f32 v53, v7  }
0x19b: {  	v31 =	vld [tilespmem:s18+$0x60];
	v36 =	vadd.s32 $0x80, v9;
	v16 =	vmul.f32 v16, v7;
	v17 =	vmul.f32 v17, v7  }
0x19c: {  	v35 =	vld [tilespmem:s18+$0xE0];
	v37 =	vadd.s32 $0x80, v10;
	v22 =	vmul.f32 v54, v7;
	v23 =	vmul.f32 v55, v7  }
0x19d: {  	v38 =	vadd.s32 $0x80, v11;
	v20 =	vmul.f32 v20, v7;
	v21 =	vmul.f32 v21, v7  }
0x19e: {  	v39 =	vadd.s32 $0xC0, v8;
	v26 =	vmul.f32 v58, v7;
	v27 =	vmul.f32 v59, v7  }
0x19f: {  	v40 =	vadd.s32 $0xC0, v9;
	v24 =	vmul.f32 v24, v7;
	v25 =	vmul.f32 v25, v7  }
0x1a0: {  	v50 =	vmul.f32 v29, v7;
	v53 =	vadd.s32 $0x40, v8;
	v54 =	vadd.s32 $0xC0, v10  }
0x1a1: {  	v31 =	vmul.f32 v31, v7;
	v35 =	vmul.f32 v35, v7;
	v58 =	vadd.s32 $0x100, v8  }
0x1a2: {  	v59 =	vadd.s32 $0x100, v9;
	vm0 =	vge.f32 v12, v13;
	vm2 =	vge.f32 v12, v14  }
0x1a3: {  	vm4 =	vge.f32 v12, v15;
	vm5 =	vge.f32 v13, v14;
	vm7 =	vge.f32 v13, v15  }
0x1a4: {  	vm8 =	vge.f32 v14, v15;
	vm13 =	vge.f32 v19, v17;
	vm1 =	vmneg vm0  }
0x1a5: {  	vm3 =	vmneg vm2;
	vm6 =	vmneg vm5;
	vm9 =	vmand vm0, vm2  }
0x1a6: {  	vm0 =	vmor vm0, vm2;
	vm10 =	vmand vm4, vm7;
	vm14 =	vmor vm5, vm1  }
0x1a7: {  	vm0 =	vmand vm4, vm0;
	vm1 =	vmand vm5, vm1;
	vm15 =	vmor vm3, vm6  }
0x1a8: {  	vm3 =	vmand vm3, vm6;
	vm5 =	vge.f32 v19, v16;
	vm2 =	vmand vm7, vm14  }
0x1a9: {  	vm0 =	vmor vm9, vm0;
	vm9 =	vmor vm4, vm7;
	vm4 =	vge.f32 v18, v17  }
0x1aa: {  	vm12 =	vmneg vm5;
	vm14 =	vge.f32 v16, v17;
	vm7 =	vge.f32 v27, v25  }
0x1ab: {  	vm1 =	vmor vm1, vm2;
	vm2 =	vmand vm8, vm15;
	vm11 =	vmand vm8, vm9  }
0x1ac: {  	v15 =	vsel vm0, $0x3F800000, v5;
	vm0 =	vge.f32 v18, v19;
	vm9 =	vge.f32 v24, v25  }
0x1ad: {  	vm2 =	vmor vm3, vm2;
	vm3 =	vmor vm10, vm11;
	v14 =	vsel vm1, $0x3F800000, v5  }
0x1ae: {  	vm1 =	vmneg vm0;
	v13 =	vsel vm2, $0x3F800000, v5;
	v12 =	vsel vm3, $0x0, v6  }
0x1af: {  	vm2 =	vge.f32 v18, v16;
	vm10 =	vmor vm5, vm1;
	vm1 =	vmand vm5, vm1  }
0x1b0: {  	vm5 =	vge.f32 v23, v20;
	vm3 =	vmneg vm2;
	vm15 =	vmand vm0, vm2  }
0x1b1: {  	vm0 =	vmor vm0, vm2;
	vm2 =	vmand vm13, vm10;
	vm6 =	vmneg vm5  }
0x1b2: {  	vm0 =	vmand vm4, vm0;
	vm1 =	vmor vm1, vm2;
	vm11 =	vmor vm3, vm12  }
0x1b3: {  	vm3 =	vmand vm3, vm12;
	vm12 =	vmor vm4, vm13;
	vm13 =	vmand vm4, vm13  }
0x1b4: {  	vm4 =	vge.f32 v22, v21;
	vm0 =	vmor vm15, vm0;
	vm2 =	vmand vm14, vm11  }
0x1b5: {  	vm14 =	vmand vm14, vm12;
	v56 =	vsel vm1, $0x3F800000, v5;
	vm15 =	vge.f32 v22, v20  }
0x1b6: {  	vm12 =	vge.f32 v23, v21;
	vm2 =	vmor vm3, vm2;
	vm3 =	vmor vm13, vm14  }
0x1b7: {  	v19 =	vsel vm0, $0x3F800000, v5;
	vm0 =	vge.f32 v22, v23;
	vm13 =	vge.f32 v20, v21  }
0x1b8: {  	v43 =	vld [tilespmem:s18+$0xFFFFFF40];
	vm11 =	vmor vm4, vm12;
	v17 =	vsel vm2, $0x3F800000, v5;
	v57 =	vsel vm3, $0x0, v6  }
0x1b9: {  	v46 =	vld [tilespmem:s18+$0xC0];
	vm1 =	vmneg vm0;
	vm14 =	vmand vm0, vm15;
	vm0 =	vmor vm0, vm15  }
0x1ba: {  	vm3 =	vmneg vm15;
	vm15 =	vmor vm5, vm1;
	vm0 =	vmand vm4, vm0  }
0x1bb: {  	vm1 =	vmand vm5, vm1;
	vm10 =	vmor vm3, vm6;
	vm3 =	vmand vm3, vm6  }
0x1bc: {  	[tilespmem:v53+s24+$0x0] =	vst.idx.msk $0xffff, v19;
	vm2 =	vmand vm12, vm15;
	vm0 =	vmor vm14, vm0;
	vm12 =	vmand vm4, vm12  }
0x1bd: {  	v44 =	vld [tilespmem:s18+$0xFFFFFFC0];
	vm14 =	vge.f32 v26, v27;
	vm15 =	vge.f32 v26, v24;
	vm4 =	vge.f32 v26, v25  }
0x1be: {  	v45 =	vld [tilespmem:s18+$0x40];
	[tilespmem:v30+s24+$0x0] =	vst.idx.msk $0xffff, v56;
	v26 =	vmul.f32 v43, v7;
	v25 =	vmul.f32 v46, v7;
	v46 =	vadd.s32 $0x180, v9  }
0x1bf: {  	[tilespmem:v32+s24+$0x0] =	vst.idx.msk $0xffff, v17;
	vm1 =	vmor vm1, vm2;
	vm2 =	vmand vm13, vm10;
	vm13 =	vmand vm13, vm11  }
0x1c0: {  	v60 =	vsel vm0, $0x3F800000, v5;
	vm0 =	vmand vm14, vm15;
	[tilespmem:v33+s24+$0x0] =	vst.idx.msk $0xffff, v57;
	v57 =	vadd.s32 $0xC0, v11  }
0x1c1: {  	vm2 =	vmor vm3, vm2;
	vm3 =	vmor vm12, vm13;
	v61 =	vsel vm1, $0x3F800000, v5  }
0x1c2: {  	vm1 =	vmneg vm14;
	vm12 =	vge.f32 v27, v24;
	vm13 =	vmor vm14, vm15  }
0x1c3: {  	v27 =	vmul.f32 v44, v7;
	v24 =	vmul.f32 v45, v7;
	[tilespmem:v34+s24+$0x0] =	vst.idx.msk $0xffff, v60;
	v34 =	vadd.s32 $0x100, v11  }
0x1c4: {  	v45 =	vadd.s32 $0x180, v8;
	v62 =	vsel vm2, $0x3F800000, v5;
	v63 =	vsel vm3, $0x0, v6  }
0x1c5: {  	vm3 =	vmneg vm15;
	vm6 =	vmneg vm12;
	vm14 =	vmand vm4, vm13  }
0x1c6: {  	vm15 =	vmand vm12, vm1;
	vm1 =	vmor vm12, vm1;
	vm13 =	vmor vm4, vm7  }
0x1c7: {  	v49 =	vld [tilespmem:s18+$0xD0];
	vm4 =	vmand vm4, vm7;
	[tilespmem:v36+s24+$0x0] =	vst.idx.msk $0xffff, v61;
	v36 =	vadd.s32 $0x140, v8;
	vm12 =	vmor vm3, vm6  }
0x1c8: {  	v47 =	vld [tilespmem:s18+$0xFFFFFFD0];
	vm1 =	vmand vm7, vm1;
	vm6 =	vmand vm3, vm6;
	vm0 =	vmor vm0, vm14  }
0x1c9: {  	v48 =	vld [tilespmem:s18+$0x50];
	vm7 =	vge.f32 v27, v24;
	vm11 =	vge.f32 v27, v25;
	vm5 =	vmand vm9, vm12  }
0x1ca: {  	v52 =	vld [tilespmem:s18+$0xFFFFFFE0];
	vm3 =	vmor vm15, vm1;
	vm1 =	vmand vm9, vm13;
	v28 =	vsel vm0, $0x3F800000, v5  }
0x1cb: {  	v33 =	vld [tilespmem:s18+$0xFFFFFFF0];
	[tilespmem:v37+s24+$0x0] =	vst.idx.msk $0xffff, v62;
	vm9 =	vge.f32 v26, v25;
	vm10 =	vmneg vm7;
	vm12 =	vge.f32 v24, v25  }
0x1cc: {  	v25 =	vmul.f32 v49, v7;
	[tilespmem:v38+s24+$0x0] =	vst.idx.msk $0xffff, v63;
	v63 =	vadd.s32 $0x100, v10;
	v38 =	vadd.s32 $0x140, v9  }
0x1cd: {  	vm2 =	vmor vm6, vm5;
	vm6 =	vmor vm4, vm1;
	vm1 =	vge.f32 v26, v27  }
0x1ce: {  	vm4 =	vge.f32 v26, v24;
	v26 =	vmul.f32 v47, v7;
	v24 =	vmul.f32 v48, v7  }
0x1cf: {  	v41 =	vsel vm3, $0x3F800000, v5;
	v27 =	vmul.f32 v52, v7;
	[tilespmem:v39+s24+$0x0] =	vst.idx.msk $0xffff, v28;
	v39 =	vadd.s32 $0x140, v10  }
0x1d0: {  	v47 =	vmul.f32 v33, v7;
	v48 =	vadd.s32 $0x180, v10;
	vm0 =	vmneg vm1  }
0x1d1: {  	v62 =	vld [tilespmem:s18+$0xFFFFFF70];
	vm5 =	vmneg vm4;
	vm14 =	vmand vm1, vm4;
	vm1 =	vmor vm1, vm4  }
0x1d2: {  	v55 =	vsel vm2, $0x3F800000, v5;
	v42 =	vsel vm6, $0x0, v6;
	[tilespmem:v40+s24+$0x0] =	vst.idx.msk $0xffff, v41;
	v40 =	vadd.s32 $0x140, v11  }
0x1d3: {  	vm15 =	vmor vm7, vm0;
	vm1 =	vmand vm9, vm1;
	vm0 =	vmand vm7, vm0  }
0x1d4: {  	v51 =	vld [tilespmem:s18+$0xFFFFFF60];
	vm13 =	vmor vm5, vm10;
	vm4 =	vmand vm11, vm15;
	vm8 =	vmor vm14, vm1  }
0x1d5: {  	[tilespmem:v54+s24+$0x0] =	vst.idx.msk $0xffff, v55;
	vm14 =	vmand vm5, vm10;
	vm15 =	vmand vm9, vm11;
	vm10 =	vge.f32 v26, v24  }
0x1d6: {  	[tilespmem:v57+s24+$0x0] =	vst.idx.msk $0xffff, v42;
	v22 =	vmul.f32 v62, v7;
	v57 =	vadd.s32 $0x1C0, v9;
	vm7 =	vmor vm0, vm4  }
0x1d7: {  	v37 =	vld [tilespmem:s18+$0xF0];
	vm0 =	vmand vm12, vm13;
	vm13 =	vmor vm9, vm11;
	vm11 =	vge.f32 v50, v25  }
0x1d8: {  	v43 =	vsel vm8, $0x3F800000, v5;
	vm9 =	vmand vm12, vm13;
	vm5 =	vmor vm14, vm0  }
0x1d9: {  	vm0 =	vge.f32 v50, v26;
	vm12 =	vge.f32 v26, v25;
	v26 =	vmul.f32 v51, v7  }
0x1da: {  	v56 =	vsel vm7, $0x3F800000, v5;
	[tilespmem:v58+s24+$0x0] =	vst.idx.msk $0xffff, v43;
	v51 =	vadd.s32 $0x180, v11;
	v58 =	vadd.s32 $0x1C0, v10  }
0x1db: {  	vm4 =	vmor vm15, vm9;
	vm1 =	vmneg vm0;
	vm9 =	vge.f32 v50, v24  }
0x1dc: {  	v60 =	vsel vm5, $0x3F800000, v5;
	[tilespmem:v59+s24+$0x0] =	vst.idx.msk $0xffff, v56;
	v50 =	vmul.f32 v37, v7;
	v56 =	vadd.s32 $0x1C0, v8  }
0x1dd: {  	v59 =	vadd.s32 $0x1C0, v11;
	vm13 =	vmor vm0, vm9;
	vm0 =	vmand vm0, vm9  }
0x1de: {  	vm14 =	vmor vm10, vm1;
	vm1 =	vmand vm10, vm1;
	vm10 =	vmneg vm10  }
0x1df: {  	vm8 =	vge.f32 v26, v35;
	v61 =	vsel vm4, $0x0, v6;
	vm13 =	vmand vm11, vm13  }
0x1e0: {  	vm0 =	vmor vm0, vm13;
	vm13 =	vmand vm12, vm14;
	vm14 =	vmneg vm9  }
0x1e1: {  	vm1 =	vmor vm1, vm13;
	vm9 =	vmand vm14, vm10;
	vm13 =	vmor vm14, vm10  }
0x1e2: {  	vm10 =	vmand vm11, vm12;
	vm11 =	vmor vm11, vm12;
	vm14 =	vge.f32 v24, v25  }
0x1e3: {  	vm12 =	vge.f32 v26, v31;
	v41 =	vsel vm0, $0x3F800000, v5;
	vm2 =	vmand vm14, vm13  }
0x1e4: {  	vm3 =	vmand vm14, vm11;
	vm11 =	vge.f32 v26, v27;
	vm13 =	vge.f32 v31, v35  }
0x1e5: {  	vm6 =	vmor vm9, vm2;
	vm3 =	vmor vm10, vm3;
	vm7 =	vmneg vm11  }
0x1e6: {  	vm9 =	vmneg vm12;
	vm10 =	vge.f32 v27, v31;
	vm2 =	vmor vm11, vm12  }
0x1e7: {  	vm11 =	vmand vm11, vm12;
	vm12 =	vmneg vm10;
	vm2 =	vmand vm8, vm2  }
0x1e8: {  	vm2 =	vmor vm11, vm2;
	vm11 =	vmand vm10, vm7;
	vm7 =	vmor vm10, vm7  }
0x1e9: {  	[tilespmem:v8+s24+$0x0] =	vst.idx.msk $0xffff, v15;
	vm10 =	vmand vm9, vm12;
	vm9 =	vmor vm9, vm12;
	vm12 =	vge.f32 v27, v35;
	v35 =	vld [tilespmem:s18+$0x70]  }
0x1ea: {  	[tilespmem:v9+s24+$0x0] =	vst.idx.msk $0xffff, v14;
	vm0 =	vge.f32 v22, v50;
	v42 =	vsel vm1, $0x3F800000, v5;
	v43 =	vsel vm6, $0x3F800000, v5  }
0x1eb: {  	[tilespmem:v10+s24+$0x0] =	vst.idx.msk $0xffff, v13;
	v44 =	vsel vm3, $0x0, v6;
	vm15 =	vmand vm12, vm7;
	vm14 =	vmand vm13, vm9  }
0x1ec: {  	[tilespmem:v11+s24+$0x0] =	vst.idx.msk $0xffff, v12;
	v52 =	vsel vm2, $0x3F800000, v5;
	vm4 =	vmor vm11, vm15;
	vm5 =	vmor vm10, vm14  }
0x1ed: {  	[tilespmem:v63+s24+$0x0] =	vst.idx.msk $0xffff, v60;
	vm15 =	vmand vm8, vm12;
	vm8 =	vmor vm8, vm12;
	vm12 =	vge.f32 v22, v47  }
0x1ee: {  	[tilespmem:v34+s24+$0x0] =	vst.idx.msk $0xffff, v61;
	vm10 =	vmand vm13, vm8;
	v53 =	vsel vm4, $0x3F800000, v5;
	v49 =	vmul.f32 v35, v7  }
0x1ef: {  	[tilespmem:v36+s24+$0x0] =	vst.idx.msk $0xffff, v41;
	v54 =	vsel vm5, $0x3F800000, v5;
	vm11 =	vmor vm15, vm10;
	vm15 =	vge.f32 v47, v50  }
0x1f0: {  	[tilespmem:v38+s24+$0x0] =	vst.idx.msk $0xffff, v42;
	v55 =	vsel vm11, $0x0, v6;
	vm11 =	vmneg vm12;
	vm13 =	vge.f32 v22, v49  }
0x1f1: {  	[tilespmem:v39+s24+$0x0] =	vst.idx.msk $0xffff, v43;
	vm14 =	vge.f32 v47, v49;
	vm9 =	vge.f32 v49, v50;
	vm10 =	vmor vm12, vm13  }
0x1f2: {  	[tilespmem:v40+s24+$0x0] =	vst.idx.msk $0xffff, v44;
	vm6 =	vmand vm12, vm13;
	vm7 =	vmneg vm13;
	vm12 =	vmor vm14, vm11  }
0x1f3: {  	[tilespmem:v45+s24+$0x0] =	vst.idx.msk $0xffff, v52;
	vm5 =	vmand vm14, vm11;
	vm2 =	vmneg vm14;
	vm14 =	vmor vm0, vm15  }
0x1f4: {  	s2 =	sadd.s32 $0x8, s2;
	[tilespmem:v46+s24+$0x0] =	vst.idx.msk $0xffff, v53;
	vm3 =	vmand vm0, vm10;
	vm13 =	vmor vm7, vm2;
	vm2 =	vmand vm7, vm2  }
0x1f5: {  	p0 =	slt.u32 s2, $0xF8;
	[tilespmem:v48+s24+$0x0] =	vst.idx.msk $0xffff, v54;
	vm0 =	vmand vm0, vm15;
	vm3 =	vmor vm6, vm3;
	vm6 =	vmand vm15, vm12  }
.Ltmp3:
0x1f6: {  	[tilespmem:v51+s24+$0x0] =	vst.idx.msk $0xffff, v55;
	vm5 =	vmor vm5, vm6;
	vm6 =	vmand vm9, vm13;
	v60 =	vsel vm3, $0x3F800000, v5;
	(pc) =	sbr.rel @p0 .LBB2_9-.Ltmp3, $4  }
0x1f7: {  	vm15 =	vmand vm9, vm14;
	vm2 =	vmor vm2, vm6;
	[tilespmem:v56+s24+$0x0] =	vst.idx.msk $0xffff, v60;
	v61 =	vsel vm5, $0x3F800000, v5  }
0x1f8: {  	vm0 =	vmor vm0, vm15;
	[tilespmem:v57+s24+$0x0] =	vst.idx.msk $0xffff, v61;
	v62 =	vsel vm2, $0x3F800000, v5  }
0x1f9: {  	v9 =	vadd.s32 $0x200, v9;
	v63 =	vsel vm0, $0x0, v6;
	[tilespmem:v58+s24+$0x0] =	vst.idx.msk $0xffff, v62  }
0x1fa: {  	v10 =	vadd.s32 $0x200, v10;
	v8 =	vadd.s32 $0x200, v8;
	v11 =	vadd.s32 $0x200, v11;
	s18 =	sadd.s32 $0x200, s18;
	[tilespmem:v59+s24+$0x0] =	vst.idx.msk $0xffff, v63  }
0x1fb: {  	[hbm4b:s0+s4] =	stream.linear.scatter [tilespmem:s24], [sflag:$0x4], $0x4000, $0x38;
	[tilespmem:$0x10080] =	vst v63  }
0x1fc: {  	s29 =	sadd.s32 $0x1, s29  }
0x1fd: {  	p0 =	sne.s32 s29, $0xF  }
.Ltmp4:
0x1fe: {  	_ = 	snop;
	(pc) =	sbr.rel @p0 .LBB2_6-.Ltmp4, $4  }
0x1ff: {  	s31 =	sadd.s32 s30, s14  }
0x200: {  	s0 =	sshrl.u32 s31, $0x3  }
0x201: {  	s0 =	sadd.s32 s1, s0  }
0x202: {  	[tilespmem:s20], [sflag:$0x2] =	stream.linear.gather [hbm4b:s0+s4], $0x4000, $0x38;
	[tilespmem:$0x10080] =	vst v63  }
0x203: {  	_ =	swait.ge [sflag:s21], $0x4000  }
0x204: {  	[sflag:s21] =	ssyncset.done $0x0  }
0x205: {  	[sflag:s21] =	ssyncadd.s32 $0xFFFFC000  }
0x206: {  	v8 =	vmul.u32 $0x4, v0;
	_ =	swait.ge [sflag:s25], $0x4000  }
0x207: {  	[sflag:s25] =	ssyncset.done $0x0  }
0x208: {  	s0 =	simm.s32 $0xFFFFFFF8;
	s2 =	simm.s32 $0x100;
	v9 =	vor.u32 $0x1, v8;
	v10 =	vor.u32 $0x2, v8;
	v11 =	vor.u32 $0x3, v8;
	[sflag:s25] =	ssyncadd.s32 $0xFFFFC000  }
.LBB2_12:
0x209: {  	v12 =	vld [tilespmem:s2+$0xFFFFFF00]  }
0x20a: {  	v13 =	vld [tilespmem:s2+$0xFFFFFF80]  }
0x20b: {  	v14 =	vld [tilespmem:s2+$0x0]  }
0x20c: {  	v15 =	vld [tilespmem:s2+$0x80]  }
0x20d: {  	v52 =	vld [tilespmem:s2+$0xFFFFFF10]  }
0x20e: {  	v53 =	vld [tilespmem:s2+$0xFFFFFF90]  }
0x20f: {  	v16 =	vld [tilespmem:s2+$0x10]  }
0x210: {  	v17 =	vld [tilespmem:s2+$0x90]  }
0x211: {  	v54 =	vld [tilespmem:s2+$0xFFFFFF20]  }
0x212: {  	v55 =	vld [tilespmem:s2+$0xFFFFFFA0]  }
0x213: {  	v20 =	vld [tilespmem:s2+$0x20]  }
0x214: {  	v21 =	vld [tilespmem:s2+$0xA0]  }
0x215: {  	v58 =	vld [tilespmem:s2+$0xFFFFFF30]  }
0x216: {  	v59 =	vld [tilespmem:s2+$0xFFFFFFB0];
	v30 =	vadd.s32 $0x40, v9  }
0x217: {  	v24 =	vld [tilespmem:s2+$0x30];
	v32 =	vadd.s32 $0x40, v10;
	v12 =	vmul.f32 v12, v7;
	v13 =	vmul.f32 v13, v7  }
0x218: {  	v25 =	vld [tilespmem:s2+$0xB0];
	v33 =	vadd.s32 $0x40, v11;
	v14 =	vmul.f32 v14, v7;
	v15 =	vmul.f32 v15, v7  }
0x219: {  	v29 =	vld [tilespmem:s2+$0xFFFFFF50];
	v34 =	vadd.s32 $0x80, v8;
	v18 =	vmul.f32 v52, v7;
	v19 =	vmul.f32 v53, v7  }
0x21a: {  	v31 =	vld [tilespmem:s2+$0x60];
	v36 =	vadd.s32 $0x80, v9;
	v16 =	vmul.f32 v16, v7;
	v17 =	vmul.f32 v17, v7  }
0x21b: {  	v35 =	vld [tilespmem:s2+$0xE0];
	v37 =	vadd.s32 $0x80, v10;
	v22 =	vmul.f32 v54, v7;
	v23 =	vmul.f32 v55, v7  }
0x21c: {  	v38 =	vadd.s32 $0x80, v11;
	v20 =	vmul.f32 v20, v7;
	v21 =	vmul.f32 v21, v7  }
0x21d: {  	v39 =	vadd.s32 $0xC0, v8;
	v26 =	vmul.f32 v58, v7;
	v27 =	vmul.f32 v59, v7  }
0x21e: {  	v40 =	vadd.s32 $0xC0, v9;
	v24 =	vmul.f32 v24, v7;
	v25 =	vmul.f32 v25, v7  }
0x21f: {  	v50 =	vmul.f32 v29, v7;
	v53 =	vadd.s32 $0x40, v8;
	v54 =	vadd.s32 $0xC0, v10  }
0x220: {  	v31 =	vmul.f32 v31, v7;
	v35 =	vmul.f32 v35, v7;
	v58 =	vadd.s32 $0x100, v8  }
0x221: {  	v59 =	vadd.s32 $0x100, v9;
	vm0 =	vge.f32 v12, v13;
	vm2 =	vge.f32 v12, v14  }
0x222: {  	vm4 =	vge.f32 v12, v15;
	vm5 =	vge.f32 v13, v14;
	vm7 =	vge.f32 v13, v15  }
0x223: {  	vm8 =	vge.f32 v14, v15;
	vm13 =	vge.f32 v19, v17;
	vm1 =	vmneg vm0  }
0x224: {  	vm3 =	vmneg vm2;
	vm6 =	vmneg vm5;
	vm9 =	vmand vm0, vm2  }
0x225: {  	vm0 =	vmor vm0, vm2;
	vm10 =	vmand vm4, vm7;
	vm14 =	vmor vm5, vm1  }
0x226: {  	vm0 =	vmand vm4, vm0;
	vm1 =	vmand vm5, vm1;
	vm15 =	vmor vm3, vm6  }
0x227: {  	vm3 =	vmand vm3, vm6;
	vm5 =	vge.f32 v19, v16;
	vm2 =	vmand vm7, vm14  }
0x228: {  	vm0 =	vmor vm9, vm0;
	vm9 =	vmor vm4, vm7;
	vm4 =	vge.f32 v18, v17  }
0x229: {  	vm12 =	vmneg vm5;
	vm14 =	vge.f32 v16, v17;
	vm7 =	vge.f32 v27, v25  }
0x22a: {  	vm1 =	vmor vm1, vm2;
	vm2 =	vmand vm8, vm15;
	vm11 =	vmand vm8, vm9  }
0x22b: {  	v15 =	vsel vm0, $0x3F800000, v5;
	vm0 =	vge.f32 v18, v19;
	vm9 =	vge.f32 v24, v25  }
0x22c: {  	vm2 =	vmor vm3, vm2;
	vm3 =	vmor vm10, vm11;
	v14 =	vsel vm1, $0x3F800000, v5  }
0x22d: {  	vm1 =	vmneg vm0;
	v13 =	vsel vm2, $0x3F800000, v5;
	v12 =	vsel vm3, $0x0, v6  }
0x22e: {  	vm2 =	vge.f32 v18, v16;
	vm10 =	vmor vm5, vm1;
	vm1 =	vmand vm5, vm1  }
0x22f: {  	vm5 =	vge.f32 v23, v20;
	vm3 =	vmneg vm2;
	vm15 =	vmand vm0, vm2  }
0x230: {  	vm0 =	vmor vm0, vm2;
	vm2 =	vmand vm13, vm10;
	vm6 =	vmneg vm5  }
0x231: {  	vm0 =	vmand vm4, vm0;
	vm1 =	vmor vm1, vm2;
	vm11 =	vmor vm3, vm12  }
0x232: {  	vm3 =	vmand vm3, vm12;
	vm12 =	vmor vm4, vm13;
	vm13 =	vmand vm4, vm13  }
0x233: {  	vm4 =	vge.f32 v22, v21;
	vm0 =	vmor vm15, vm0;
	vm2 =	vmand vm14, vm11  }
0x234: {  	vm14 =	vmand vm14, vm12;
	v56 =	vsel vm1, $0x3F800000, v5;
	vm15 =	vge.f32 v22, v20  }
0x235: {  	vm12 =	vge.f32 v23, v21;
	vm2 =	vmor vm3, vm2;
	vm3 =	vmor vm13, vm14  }
0x236: {  	v19 =	vsel vm0, $0x3F800000, v5;
	vm0 =	vge.f32 v22, v23;
	vm13 =	vge.f32 v20, v21  }
0x237: {  	v43 =	vld [tilespmem:s2+$0xFFFFFF40];
	vm11 =	vmor vm4, vm12;
	v17 =	vsel vm2, $0x3F800000, v5;
	v57 =	vsel vm3, $0x0, v6  }
0x238: {  	v46 =	vld [tilespmem:s2+$0xC0];
	vm1 =	vmneg vm0;
	vm14 =	vmand vm0, vm15;
	vm0 =	vmor vm0, vm15  }
0x239: {  	vm3 =	vmneg vm15;
	vm15 =	vmor vm5, vm1;
	vm0 =	vmand vm4, vm0  }
0x23a: {  	vm1 =	vmand vm5, vm1;
	vm10 =	vmor vm3, vm6;
	vm3 =	vmand vm3, vm6  }
0x23b: {  	[tilespmem:v53+s22+$0x0] =	vst.idx.msk $0xffff, v19;
	vm2 =	vmand vm12, vm15;
	vm0 =	vmor vm14, vm0;
	vm12 =	vmand vm4, vm12  }
0x23c: {  	v44 =	vld [tilespmem:s2+$0xFFFFFFC0];
	vm14 =	vge.f32 v26, v27;
	vm15 =	vge.f32 v26, v24;
	vm4 =	vge.f32 v26, v25  }
0x23d: {  	v45 =	vld [tilespmem:s2+$0x40];
	[tilespmem:v30+s22+$0x0] =	vst.idx.msk $0xffff, v56;
	v26 =	vmul.f32 v43, v7;
	v25 =	vmul.f32 v46, v7;
	v46 =	vadd.s32 $0x180, v9  }
0x23e: {  	[tilespmem:v32+s22+$0x0] =	vst.idx.msk $0xffff, v17;
	vm1 =	vmor vm1, vm2;
	vm2 =	vmand vm13, vm10;
	vm13 =	vmand vm13, vm11  }
0x23f: {  	v60 =	vsel vm0, $0x3F800000, v5;
	vm0 =	vmand vm14, vm15;
	[tilespmem:v33+s22+$0x0] =	vst.idx.msk $0xffff, v57;
	v57 =	vadd.s32 $0xC0, v11  }
0x240: {  	vm2 =	vmor vm3, vm2;
	vm3 =	vmor vm12, vm13;
	v61 =	vsel vm1, $0x3F800000, v5  }
0x241: {  	vm1 =	vmneg vm14;
	vm12 =	vge.f32 v27, v24;
	vm13 =	vmor vm14, vm15  }
0x242: {  	v27 =	vmul.f32 v44, v7;
	v24 =	vmul.f32 v45, v7;
	[tilespmem:v34+s22+$0x0] =	vst.idx.msk $0xffff, v60;
	v34 =	vadd.s32 $0x100, v11  }
0x243: {  	v45 =	vadd.s32 $0x180, v8;
	v62 =	vsel vm2, $0x3F800000, v5;
	v63 =	vsel vm3, $0x0, v6  }
0x244: {  	vm3 =	vmneg vm15;
	vm6 =	vmneg vm12;
	vm14 =	vmand vm4, vm13  }
0x245: {  	vm15 =	vmand vm12, vm1;
	vm1 =	vmor vm12, vm1;
	vm13 =	vmor vm4, vm7  }
0x246: {  	v49 =	vld [tilespmem:s2+$0xD0];
	vm4 =	vmand vm4, vm7;
	[tilespmem:v36+s22+$0x0] =	vst.idx.msk $0xffff, v61;
	v36 =	vadd.s32 $0x140, v8;
	vm12 =	vmor vm3, vm6  }
0x247: {  	v47 =	vld [tilespmem:s2+$0xFFFFFFD0];
	vm1 =	vmand vm7, vm1;
	vm6 =	vmand vm3, vm6;
	vm0 =	vmor vm0, vm14  }
0x248: {  	v48 =	vld [tilespmem:s2+$0x50];
	vm7 =	vge.f32 v27, v24;
	vm11 =	vge.f32 v27, v25;
	vm5 =	vmand vm9, vm12  }
0x249: {  	v52 =	vld [tilespmem:s2+$0xFFFFFFE0];
	vm3 =	vmor vm15, vm1;
	vm1 =	vmand vm9, vm13;
	v28 =	vsel vm0, $0x3F800000, v5  }
0x24a: {  	v33 =	vld [tilespmem:s2+$0xFFFFFFF0];
	[tilespmem:v37+s22+$0x0] =	vst.idx.msk $0xffff, v62;
	vm9 =	vge.f32 v26, v25;
	vm10 =	vmneg vm7;
	vm12 =	vge.f32 v24, v25  }
0x24b: {  	v25 =	vmul.f32 v49, v7;
	[tilespmem:v38+s22+$0x0] =	vst.idx.msk $0xffff, v63;
	v63 =	vadd.s32 $0x100, v10;
	v38 =	vadd.s32 $0x140, v9  }
0x24c: {  	vm2 =	vmor vm6, vm5;
	vm6 =	vmor vm4, vm1;
	vm1 =	vge.f32 v26, v27  }
0x24d: {  	vm4 =	vge.f32 v26, v24;
	v26 =	vmul.f32 v47, v7;
	v24 =	vmul.f32 v48, v7  }
0x24e: {  	v41 =	vsel vm3, $0x3F800000, v5;
	v27 =	vmul.f32 v52, v7;
	[tilespmem:v39+s22+$0x0] =	vst.idx.msk $0xffff, v28;
	v39 =	vadd.s32 $0x140, v10  }
0x24f: {  	v47 =	vmul.f32 v33, v7;
	v48 =	vadd.s32 $0x180, v10;
	vm0 =	vmneg vm1  }
0x250: {  	v62 =	vld [tilespmem:s2+$0xFFFFFF70];
	vm5 =	vmneg vm4;
	vm14 =	vmand vm1, vm4;
	vm1 =	vmor vm1, vm4  }
0x251: {  	v55 =	vsel vm2, $0x3F800000, v5;
	v42 =	vsel vm6, $0x0, v6;
	[tilespmem:v40+s22+$0x0] =	vst.idx.msk $0xffff, v41;
	v40 =	vadd.s32 $0x140, v11  }
0x252: {  	vm15 =	vmor vm7, vm0;
	vm1 =	vmand vm9, vm1;
	vm0 =	vmand vm7, vm0  }
0x253: {  	v51 =	vld [tilespmem:s2+$0xFFFFFF60];
	vm13 =	vmor vm5, vm10;
	vm4 =	vmand vm11, vm15;
	vm8 =	vmor vm14, vm1  }
0x254: {  	[tilespmem:v54+s22+$0x0] =	vst.idx.msk $0xffff, v55;
	vm14 =	vmand vm5, vm10;
	vm15 =	vmand vm9, vm11;
	vm10 =	vge.f32 v26, v24  }
0x255: {  	[tilespmem:v57+s22+$0x0] =	vst.idx.msk $0xffff, v42;
	v22 =	vmul.f32 v62, v7;
	v57 =	vadd.s32 $0x1C0, v9;
	vm7 =	vmor vm0, vm4  }
0x256: {  	v37 =	vld [tilespmem:s2+$0xF0];
	vm0 =	vmand vm12, vm13;
	vm13 =	vmor vm9, vm11;
	vm11 =	vge.f32 v50, v25  }
0x257: {  	v43 =	vsel vm8, $0x3F800000, v5;
	vm9 =	vmand vm12, vm13;
	vm5 =	vmor vm14, vm0  }
0x258: {  	vm0 =	vge.f32 v50, v26;
	vm12 =	vge.f32 v26, v25;
	v26 =	vmul.f32 v51, v7  }
0x259: {  	v56 =	vsel vm7, $0x3F800000, v5;
	[tilespmem:v58+s22+$0x0] =	vst.idx.msk $0xffff, v43;
	v51 =	vadd.s32 $0x180, v11;
	v58 =	vadd.s32 $0x1C0, v10  }
0x25a: {  	vm4 =	vmor vm15, vm9;
	vm1 =	vmneg vm0;
	vm9 =	vge.f32 v50, v24  }
0x25b: {  	v60 =	vsel vm5, $0x3F800000, v5;
	[tilespmem:v59+s22+$0x0] =	vst.idx.msk $0xffff, v56;
	v50 =	vmul.f32 v37, v7;
	v56 =	vadd.s32 $0x1C0, v8  }
0x25c: {  	v59 =	vadd.s32 $0x1C0, v11;
	vm13 =	vmor vm0, vm9;
	vm0 =	vmand vm0, vm9  }
0x25d: {  	vm14 =	vmor vm10, vm1;
	vm1 =	vmand vm10, vm1;
	vm10 =	vmneg vm10  }
0x25e: {  	vm8 =	vge.f32 v26, v35;
	v61 =	vsel vm4, $0x0, v6;
	vm13 =	vmand vm11, vm13  }
0x25f: {  	vm0 =	vmor vm0, vm13;
	vm13 =	vmand vm12, vm14;
	vm14 =	vmneg vm9  }
0x260: {  	vm1 =	vmor vm1, vm13;
	vm9 =	vmand vm14, vm10;
	vm13 =	vmor vm14, vm10  }
0x261: {  	vm10 =	vmand vm11, vm12;
	vm11 =	vmor vm11, vm12;
	vm14 =	vge.f32 v24, v25  }
0x262: {  	vm12 =	vge.f32 v26, v31;
	v41 =	vsel vm0, $0x3F800000, v5;
	vm2 =	vmand vm14, vm13  }
0x263: {  	vm3 =	vmand vm14, vm11;
	vm11 =	vge.f32 v26, v27;
	vm13 =	vge.f32 v31, v35  }
0x264: {  	vm6 =	vmor vm9, vm2;
	vm3 =	vmor vm10, vm3;
	vm7 =	vmneg vm11  }
0x265: {  	vm9 =	vmneg vm12;
	vm10 =	vge.f32 v27, v31;
	vm2 =	vmor vm11, vm12  }
0x266: {  	vm11 =	vmand vm11, vm12;
	vm12 =	vmneg vm10;
	vm2 =	vmand vm8, vm2  }
0x267: {  	vm2 =	vmor vm11, vm2;
	vm11 =	vmand vm10, vm7;
	vm7 =	vmor vm10, vm7  }
0x268: {  	[tilespmem:v8+s22+$0x0] =	vst.idx.msk $0xffff, v15;
	vm10 =	vmand vm9, vm12;
	vm9 =	vmor vm9, vm12;
	vm12 =	vge.f32 v27, v35;
	v35 =	vld [tilespmem:s2+$0x70]  }
0x269: {  	[tilespmem:v9+s22+$0x0] =	vst.idx.msk $0xffff, v14;
	vm0 =	vge.f32 v22, v50;
	v42 =	vsel vm1, $0x3F800000, v5;
	v43 =	vsel vm6, $0x3F800000, v5  }
0x26a: {  	[tilespmem:v10+s22+$0x0] =	vst.idx.msk $0xffff, v13;
	v44 =	vsel vm3, $0x0, v6;
	vm15 =	vmand vm12, vm7;
	vm14 =	vmand vm13, vm9  }
0x26b: {  	[tilespmem:v11+s22+$0x0] =	vst.idx.msk $0xffff, v12;
	v52 =	vsel vm2, $0x3F800000, v5;
	vm4 =	vmor vm11, vm15;
	vm5 =	vmor vm10, vm14  }
0x26c: {  	[tilespmem:v63+s22+$0x0] =	vst.idx.msk $0xffff, v60;
	vm15 =	vmand vm8, vm12;
	vm8 =	vmor vm8, vm12;
	vm12 =	vge.f32 v22, v47  }
0x26d: {  	[tilespmem:v34+s22+$0x0] =	vst.idx.msk $0xffff, v61;
	vm10 =	vmand vm13, vm8;
	v53 =	vsel vm4, $0x3F800000, v5;
	v49 =	vmul.f32 v35, v7  }
0x26e: {  	[tilespmem:v36+s22+$0x0] =	vst.idx.msk $0xffff, v41;
	v54 =	vsel vm5, $0x3F800000, v5;
	vm11 =	vmor vm15, vm10;
	vm15 =	vge.f32 v47, v50  }
0x26f: {  	[tilespmem:v38+s22+$0x0] =	vst.idx.msk $0xffff, v42;
	v55 =	vsel vm11, $0x0, v6;
	vm11 =	vmneg vm12;
	vm13 =	vge.f32 v22, v49  }
0x270: {  	[tilespmem:v39+s22+$0x0] =	vst.idx.msk $0xffff, v43;
	vm14 =	vge.f32 v47, v49;
	vm9 =	vge.f32 v49, v50;
	vm10 =	vmor vm12, vm13  }
0x271: {  	[tilespmem:v40+s22+$0x0] =	vst.idx.msk $0xffff, v44;
	vm6 =	vmand vm12, vm13;
	vm7 =	vmneg vm13;
	vm12 =	vmor vm14, vm11  }
0x272: {  	[tilespmem:v45+s22+$0x0] =	vst.idx.msk $0xffff, v52;
	vm5 =	vmand vm14, vm11;
	vm2 =	vmneg vm14;
	vm14 =	vmor vm0, vm15  }
0x273: {  	s0 =	sadd.s32 $0x8, s0;
	[tilespmem:v46+s22+$0x0] =	vst.idx.msk $0xffff, v53;
	vm3 =	vmand vm0, vm10;
	vm13 =	vmor vm7, vm2;
	vm2 =	vmand vm7, vm2  }
0x274: {  	p0 =	slt.u32 s0, $0xF8;
	[tilespmem:v48+s22+$0x0] =	vst.idx.msk $0xffff, v54;
	vm0 =	vmand vm0, vm15;
	vm3 =	vmor vm6, vm3;
	vm6 =	vmand vm15, vm12  }
.Ltmp5:
0x275: {  	[tilespmem:v51+s22+$0x0] =	vst.idx.msk $0xffff, v55;
	vm5 =	vmor vm5, vm6;
	vm6 =	vmand vm9, vm13;
	v60 =	vsel vm3, $0x3F800000, v5;
	(pc) =	sbr.rel @p0 .LBB2_12-.Ltmp5, $4  }
0x276: {  	vm15 =	vmand vm9, vm14;
	vm2 =	vmor vm2, vm6;
	[tilespmem:v56+s22+$0x0] =	vst.idx.msk $0xffff, v60;
	v61 =	vsel vm5, $0x3F800000, v5  }
0x277: {  	vm0 =	vmor vm0, vm15;
	[tilespmem:v57+s22+$0x0] =	vst.idx.msk $0xffff, v61;
	v62 =	vsel vm2, $0x3F800000, v5  }
0x278: {  	v9 =	vadd.s32 $0x200, v9;
	v63 =	vsel vm0, $0x0, v6;
	[tilespmem:v58+s22+$0x0] =	vst.idx.msk $0xffff, v62  }
0x279: {  	v10 =	vadd.s32 $0x200, v10;
	v8 =	vadd.s32 $0x200, v8;
	v11 =	vadd.s32 $0x200, v11;
	s2 =	sadd.s32 $0x200, s2;
	[tilespmem:v59+s22+$0x0] =	vst.idx.msk $0xffff, v63  }
0x27a: {  	[hbm4b:s15+s4] =	stream.linear.scatter [tilespmem:s22], [sflag:$0x3], $0x4000, $0x38;
	[tilespmem:$0x10080] =	vst v63  }
0x27b: {  	_ =	swait.ge [sflag:s23], $0x4000  }
0x27c: {  	[sflag:s23] =	ssyncset.done $0x0  }
0x27d: {  	[sflag:s23] =	ssyncadd.s32 $0xFFFFC000  }
0x27e: {  	v8 =	vmul.u32 $0x4, v0;
	_ =	swait.ge [sflag:s26], $0x4000  }
0x27f: {  	[sflag:s26] =	ssyncset.done $0x0  }
0x280: {  	s0 =	simm.s32 $0xFFFFFFF8;
	s2 =	simm.s32 $0x4100;
	v9 =	vor.u32 $0x1, v8;
	v10 =	vor.u32 $0x2, v8;
	v11 =	vor.u32 $0x3, v8;
	[sflag:s26] =	ssyncadd.s32 $0xFFFFC000  }
.LBB2_14:
0x281: {  	v12 =	vld [tilespmem:s2+$0xFFFFFF00]  }
0x282: {  	v13 =	vld [tilespmem:s2+$0xFFFFFF80]  }
0x283: {  	v14 =	vld [tilespmem:s2+$0x0]  }
0x284: {  	v15 =	vld [tilespmem:s2+$0x80]  }
0x285: {  	v52 =	vld [tilespmem:s2+$0xFFFFFF10]  }
0x286: {  	v53 =	vld [tilespmem:s2+$0xFFFFFF90]  }
0x287: {  	v16 =	vld [tilespmem:s2+$0x10]  }
0x288: {  	v17 =	vld [tilespmem:s2+$0x90]  }
0x289: {  	v54 =	vld [tilespmem:s2+$0xFFFFFF20]  }
0x28a: {  	v55 =	vld [tilespmem:s2+$0xFFFFFFA0]  }
0x28b: {  	v20 =	vld [tilespmem:s2+$0x20]  }
0x28c: {  	v21 =	vld [tilespmem:s2+$0xA0]  }
0x28d: {  	v58 =	vld [tilespmem:s2+$0xFFFFFF30]  }
0x28e: {  	v59 =	vld [tilespmem:s2+$0xFFFFFFB0];
	v30 =	vadd.s32 $0x40, v9  }
0x28f: {  	v24 =	vld [tilespmem:s2+$0x30];
	v32 =	vadd.s32 $0x40, v10;
	v12 =	vmul.f32 v12, v7;
	v13 =	vmul.f32 v13, v7  }
0x290: {  	v25 =	vld [tilespmem:s2+$0xB0];
	v33 =	vadd.s32 $0x40, v11;
	v14 =	vmul.f32 v14, v7;
	v15 =	vmul.f32 v15, v7  }
0x291: {  	v29 =	vld [tilespmem:s2+$0xFFFFFF50];
	v34 =	vadd.s32 $0x80, v8;
	v18 =	vmul.f32 v52, v7;
	v19 =	vmul.f32 v53, v7  }
0x292: {  	v31 =	vld [tilespmem:s2+$0x60];
	v36 =	vadd.s32 $0x80, v9;
	v16 =	vmul.f32 v16, v7;
	v17 =	vmul.f32 v17, v7  }
0x293: {  	v35 =	vld [tilespmem:s2+$0xE0];
	v37 =	vadd.s32 $0x80, v10;
	v22 =	vmul.f32 v54, v7;
	v23 =	vmul.f32 v55, v7  }
0x294: {  	v38 =	vadd.s32 $0x80, v11;
	v20 =	vmul.f32 v20, v7;
	v21 =	vmul.f32 v21, v7  }
0x295: {  	v39 =	vadd.s32 $0xC0, v8;
	v26 =	vmul.f32 v58, v7;
	v27 =	vmul.f32 v59, v7  }
0x296: {  	v40 =	vadd.s32 $0xC0, v9;
	v24 =	vmul.f32 v24, v7;
	v25 =	vmul.f32 v25, v7  }
0x297: {  	v50 =	vmul.f32 v29, v7;
	v53 =	vadd.s32 $0x40, v8;
	v54 =	vadd.s32 $0xC0, v10  }
0x298: {  	v31 =	vmul.f32 v31, v7;
	v35 =	vmul.f32 v35, v7;
	v58 =	vadd.s32 $0x100, v8  }
0x299: {  	v59 =	vadd.s32 $0x100, v9;
	vm0 =	vge.f32 v12, v13;
	vm2 =	vge.f32 v12, v14  }
0x29a: {  	vm4 =	vge.f32 v12, v15;
	vm5 =	vge.f32 v13, v14;
	vm7 =	vge.f32 v13, v15  }
0x29b: {  	vm8 =	vge.f32 v14, v15;
	vm13 =	vge.f32 v19, v17;
	vm1 =	vmneg vm0  }
0x29c: {  	vm3 =	vmneg vm2;
	vm6 =	vmneg vm5;
	vm9 =	vmand vm0, vm2  }
0x29d: {  	vm0 =	vmor vm0, vm2;
	vm10 =	vmand vm4, vm7;
	vm14 =	vmor vm5, vm1  }
0x29e: {  	vm0 =	vmand vm4, vm0;
	vm1 =	vmand vm5, vm1;
	vm15 =	vmor vm3, vm6  }
0x29f: {  	vm3 =	vmand vm3, vm6;
	vm5 =	vge.f32 v19, v16;
	vm2 =	vmand vm7, vm14  }
0x2a0: {  	vm0 =	vmor vm9, vm0;
	vm9 =	vmor vm4, vm7;
	vm4 =	vge.f32 v18, v17  }
0x2a1: {  	vm12 =	vmneg vm5;
	vm14 =	vge.f32 v16, v17;
	vm7 =	vge.f32 v27, v25  }
0x2a2: {  	vm1 =	vmor vm1, vm2;
	vm2 =	vmand vm8, vm15;
	vm11 =	vmand vm8, vm9  }
0x2a3: {  	v15 =	vsel vm0, $0x3F800000, v5;
	vm0 =	vge.f32 v18, v19;
	vm9 =	vge.f32 v24, v25  }
0x2a4: {  	vm2 =	vmor vm3, vm2;
	vm3 =	vmor vm10, vm11;
	v14 =	vsel vm1, $0x3F800000, v5  }
0x2a5: {  	vm1 =	vmneg vm0;
	v13 =	vsel vm2, $0x3F800000, v5;
	v12 =	vsel vm3, $0x0, v6  }
0x2a6: {  	vm2 =	vge.f32 v18, v16;
	vm10 =	vmor vm5, vm1;
	vm1 =	vmand vm5, vm1  }
0x2a7: {  	vm5 =	vge.f32 v23, v20;
	vm3 =	vmneg vm2;
	vm15 =	vmand vm0, vm2  }
0x2a8: {  	vm0 =	vmor vm0, vm2;
	vm2 =	vmand vm13, vm10;
	vm6 =	vmneg vm5  }
0x2a9: {  	vm0 =	vmand vm4, vm0;
	vm1 =	vmor vm1, vm2;
	vm11 =	vmor vm3, vm12  }
0x2aa: {  	vm3 =	vmand vm3, vm12;
	vm12 =	vmor vm4, vm13;
	vm13 =	vmand vm4, vm13  }
0x2ab: {  	vm4 =	vge.f32 v22, v21;
	vm0 =	vmor vm15, vm0;
	vm2 =	vmand vm14, vm11  }
0x2ac: {  	vm14 =	vmand vm14, vm12;
	v56 =	vsel vm1, $0x3F800000, v5;
	vm15 =	vge.f32 v22, v20  }
0x2ad: {  	vm12 =	vge.f32 v23, v21;
	vm2 =	vmor vm3, vm2;
	vm3 =	vmor vm13, vm14  }
0x2ae: {  	v19 =	vsel vm0, $0x3F800000, v5;
	vm0 =	vge.f32 v22, v23;
	vm13 =	vge.f32 v20, v21  }
0x2af: {  	v43 =	vld [tilespmem:s2+$0xFFFFFF40];
	vm11 =	vmor vm4, vm12;
	v17 =	vsel vm2, $0x3F800000, v5;
	v57 =	vsel vm3, $0x0, v6  }
0x2b0: {  	v46 =	vld [tilespmem:s2+$0xC0];
	vm1 =	vmneg vm0;
	vm14 =	vmand vm0, vm15;
	vm0 =	vmor vm0, vm15  }
0x2b1: {  	vm3 =	vmneg vm15;
	vm15 =	vmor vm5, vm1;
	vm0 =	vmand vm4, vm0  }
0x2b2: {  	vm1 =	vmand vm5, vm1;
	vm10 =	vmor vm3, vm6;
	vm3 =	vmand vm3, vm6  }
0x2b3: {  	[tilespmem:v53+s24+$0x0] =	vst.idx.msk $0xffff, v19;
	vm2 =	vmand vm12, vm15;
	vm0 =	vmor vm14, vm0;
	vm12 =	vmand vm4, vm12  }
0x2b4: {  	v44 =	vld [tilespmem:s2+$0xFFFFFFC0];
	vm14 =	vge.f32 v26, v27;
	vm15 =	vge.f32 v26, v24;
	vm4 =	vge.f32 v26, v25  }
0x2b5: {  	v45 =	vld [tilespmem:s2+$0x40];
	[tilespmem:v30+s24+$0x0] =	vst.idx.msk $0xffff, v56;
	v26 =	vmul.f32 v43, v7;
	v25 =	vmul.f32 v46, v7;
	v46 =	vadd.s32 $0x180, v9  }
0x2b6: {  	[tilespmem:v32+s24+$0x0] =	vst.idx.msk $0xffff, v17;
	vm1 =	vmor vm1, vm2;
	vm2 =	vmand vm13, vm10;
	vm13 =	vmand vm13, vm11  }
0x2b7: {  	v60 =	vsel vm0, $0x3F800000, v5;
	vm0 =	vmand vm14, vm15;
	[tilespmem:v33+s24+$0x0] =	vst.idx.msk $0xffff, v57;
	v57 =	vadd.s32 $0xC0, v11  }
0x2b8: {  	vm2 =	vmor vm3, vm2;
	vm3 =	vmor vm12, vm13;
	v61 =	vsel vm1, $0x3F800000, v5  }
0x2b9: {  	vm1 =	vmneg vm14;
	vm12 =	vge.f32 v27, v24;
	vm13 =	vmor vm14, vm15  }
0x2ba: {  	v27 =	vmul.f32 v44, v7;
	v24 =	vmul.f32 v45, v7;
	[tilespmem:v34+s24+$0x0] =	vst.idx.msk $0xffff, v60;
	v34 =	vadd.s32 $0x100, v11  }
0x2bb: {  	v45 =	vadd.s32 $0x180, v8;
	v62 =	vsel vm2, $0x3F800000, v5;
	v63 =	vsel vm3, $0x0, v6  }
0x2bc: {  	vm3 =	vmneg vm15;
	vm6 =	vmneg vm12;
	vm14 =	vmand vm4, vm13  }
0x2bd: {  	vm15 =	vmand vm12, vm1;
	vm1 =	vmor vm12, vm1;
	vm13 =	vmor vm4, vm7  }
0x2be: {  	v49 =	vld [tilespmem:s2+$0xD0];
	vm4 =	vmand vm4, vm7;
	[tilespmem:v36+s24+$0x0] =	vst.idx.msk $0xffff, v61;
	v36 =	vadd.s32 $0x140, v8;
	vm12 =	vmor vm3, vm6  }
0x2bf: {  	v47 =	vld [tilespmem:s2+$0xFFFFFFD0];
	vm1 =	vmand vm7, vm1;
	vm6 =	vmand vm3, vm6;
	vm0 =	vmor vm0, vm14  }
0x2c0: {  	v48 =	vld [tilespmem:s2+$0x50];
	vm7 =	vge.f32 v27, v24;
	vm11 =	vge.f32 v27, v25;
	vm5 =	vmand vm9, vm12  }
0x2c1: {  	v52 =	vld [tilespmem:s2+$0xFFFFFFE0];
	vm3 =	vmor vm15, vm1;
	vm1 =	vmand vm9, vm13;
	v28 =	vsel vm0, $0x3F800000, v5  }
0x2c2: {  	v33 =	vld [tilespmem:s2+$0xFFFFFFF0];
	[tilespmem:v37+s24+$0x0] =	vst.idx.msk $0xffff, v62;
	vm9 =	vge.f32 v26, v25;
	vm10 =	vmneg vm7;
	vm12 =	vge.f32 v24, v25  }
0x2c3: {  	v25 =	vmul.f32 v49, v7;
	[tilespmem:v38+s24+$0x0] =	vst.idx.msk $0xffff, v63;
	v63 =	vadd.s32 $0x100, v10;
	v38 =	vadd.s32 $0x140, v9  }
0x2c4: {  	vm2 =	vmor vm6, vm5;
	vm6 =	vmor vm4, vm1;
	vm1 =	vge.f32 v26, v27  }
0x2c5: {  	vm4 =	vge.f32 v26, v24;
	v26 =	vmul.f32 v47, v7;
	v24 =	vmul.f32 v48, v7  }
0x2c6: {  	v41 =	vsel vm3, $0x3F800000, v5;
	v27 =	vmul.f32 v52, v7;
	[tilespmem:v39+s24+$0x0] =	vst.idx.msk $0xffff, v28;
	v39 =	vadd.s32 $0x140, v10  }
0x2c7: {  	v47 =	vmul.f32 v33, v7;
	v48 =	vadd.s32 $0x180, v10;
	vm0 =	vmneg vm1  }
0x2c8: {  	v62 =	vld [tilespmem:s2+$0xFFFFFF70];
	vm5 =	vmneg vm4;
	vm14 =	vmand vm1, vm4;
	vm1 =	vmor vm1, vm4  }
0x2c9: {  	v55 =	vsel vm2, $0x3F800000, v5;
	v42 =	vsel vm6, $0x0, v6;
	[tilespmem:v40+s24+$0x0] =	vst.idx.msk $0xffff, v41;
	v40 =	vadd.s32 $0x140, v11  }
0x2ca: {  	vm15 =	vmor vm7, vm0;
	vm1 =	vmand vm9, vm1;
	vm0 =	vmand vm7, vm0  }
0x2cb: {  	v51 =	vld [tilespmem:s2+$0xFFFFFF60];
	vm13 =	vmor vm5, vm10;
	vm4 =	vmand vm11, vm15;
	vm8 =	vmor vm14, vm1  }
0x2cc: {  	[tilespmem:v54+s24+$0x0] =	vst.idx.msk $0xffff, v55;
	vm14 =	vmand vm5, vm10;
	vm15 =	vmand vm9, vm11;
	vm10 =	vge.f32 v26, v24  }
0x2cd: {  	[tilespmem:v57+s24+$0x0] =	vst.idx.msk $0xffff, v42;
	v22 =	vmul.f32 v62, v7;
	v57 =	vadd.s32 $0x1C0, v9;
	vm7 =	vmor vm0, vm4  }
0x2ce: {  	v37 =	vld [tilespmem:s2+$0xF0];
	vm0 =	vmand vm12, vm13;
	vm13 =	vmor vm9, vm11;
	vm11 =	vge.f32 v50, v25  }
0x2cf: {  	v43 =	vsel vm8, $0x3F800000, v5;
	vm9 =	vmand vm12, vm13;
	vm5 =	vmor vm14, vm0  }
0x2d0: {  	vm0 =	vge.f32 v50, v26;
	vm12 =	vge.f32 v26, v25;
	v26 =	vmul.f32 v51, v7  }
0x2d1: {  	v56 =	vsel vm7, $0x3F800000, v5;
	[tilespmem:v58+s24+$0x0] =	vst.idx.msk $0xffff, v43;
	v51 =	vadd.s32 $0x180, v11;
	v58 =	vadd.s32 $0x1C0, v10  }
0x2d2: {  	vm4 =	vmor vm15, vm9;
	vm1 =	vmneg vm0;
	vm9 =	vge.f32 v50, v24  }
0x2d3: {  	v60 =	vsel vm5, $0x3F800000, v5;
	[tilespmem:v59+s24+$0x0] =	vst.idx.msk $0xffff, v56;
	v50 =	vmul.f32 v37, v7;
	v56 =	vadd.s32 $0x1C0, v8  }
0x2d4: {  	v59 =	vadd.s32 $0x1C0, v11;
	vm13 =	vmor vm0, vm9;
	vm0 =	vmand vm0, vm9  }
0x2d5: {  	vm14 =	vmor vm10, vm1;
	vm1 =	vmand vm10, vm1;
	vm10 =	vmneg vm10  }
0x2d6: {  	vm8 =	vge.f32 v26, v35;
	v61 =	vsel vm4, $0x0, v6;
	vm13 =	vmand vm11, vm13  }
0x2d7: {  	vm0 =	vmor vm0, vm13;
	vm13 =	vmand vm12, vm14;
	vm14 =	vmneg vm9  }
0x2d8: {  	vm1 =	vmor vm1, vm13;
	vm9 =	vmand vm14, vm10;
	vm13 =	vmor vm14, vm10  }
0x2d9: {  	vm10 =	vmand vm11, vm12;
	vm11 =	vmor vm11, vm12;
	vm14 =	vge.f32 v24, v25  }
0x2da: {  	vm12 =	vge.f32 v26, v31;
	v41 =	vsel vm0, $0x3F800000, v5;
	vm2 =	vmand vm14, vm13  }
0x2db: {  	vm3 =	vmand vm14, vm11;
	vm11 =	vge.f32 v26, v27;
	vm13 =	vge.f32 v31, v35  }
0x2dc: {  	vm6 =	vmor vm9, vm2;
	vm3 =	vmor vm10, vm3;
	vm7 =	vmneg vm11  }
0x2dd: {  	vm9 =	vmneg vm12;
	vm10 =	vge.f32 v27, v31;
	vm2 =	vmor vm11, vm12  }
0x2de: {  	vm11 =	vmand vm11, vm12;
	vm12 =	vmneg vm10;
	vm2 =	vmand vm8, vm2  }
0x2df: {  	vm2 =	vmor vm11, vm2;
	vm11 =	vmand vm10, vm7;
	vm7 =	vmor vm10, vm7  }
0x2e0: {  	[tilespmem:v8+s24+$0x0] =	vst.idx.msk $0xffff, v15;
	vm10 =	vmand vm9, vm12;
	vm9 =	vmor vm9, vm12;
	vm12 =	vge.f32 v27, v35;
	v35 =	vld [tilespmem:s2+$0x70]  }
0x2e1: {  	[tilespmem:v9+s24+$0x0] =	vst.idx.msk $0xffff, v14;
	vm0 =	vge.f32 v22, v50;
	v42 =	vsel vm1, $0x3F800000, v5;
	v43 =	vsel vm6, $0x3F800000, v5  }
0x2e2: {  	[tilespmem:v10+s24+$0x0] =	vst.idx.msk $0xffff, v13;
	v44 =	vsel vm3, $0x0, v6;
	vm15 =	vmand vm12, vm7;
	vm14 =	vmand vm13, vm9  }
0x2e3: {  	[tilespmem:v11+s24+$0x0] =	vst.idx.msk $0xffff, v12;
	v52 =	vsel vm2, $0x3F800000, v5;
	vm4 =	vmor vm11, vm15;
	vm5 =	vmor vm10, vm14  }
0x2e4: {  	[tilespmem:v63+s24+$0x0] =	vst.idx.msk $0xffff, v60;
	vm15 =	vmand vm8, vm12;
	vm8 =	vmor vm8, vm12;
	vm12 =	vge.f32 v22, v47  }
0x2e5: {  	[tilespmem:v34+s24+$0x0] =	vst.idx.msk $0xffff, v61;
	vm10 =	vmand vm13, vm8;
	v53 =	vsel vm4, $0x3F800000, v5;
	v49 =	vmul.f32 v35, v7  }
0x2e6: {  	[tilespmem:v36+s24+$0x0] =	vst.idx.msk $0xffff, v41;
	v54 =	vsel vm5, $0x3F800000, v5;
	vm11 =	vmor vm15, vm10;
	vm15 =	vge.f32 v47, v50  }
0x2e7: {  	[tilespmem:v38+s24+$0x0] =	vst.idx.msk $0xffff, v42;
	v55 =	vsel vm11, $0x0, v6;
	vm11 =	vmneg vm12;
	vm13 =	vge.f32 v22, v49  }
0x2e8: {  	[tilespmem:v39+s24+$0x0] =	vst.idx.msk $0xffff, v43;
	vm14 =	vge.f32 v47, v49;
	vm9 =	vge.f32 v49, v50;
	vm10 =	vmor vm12, vm13  }
0x2e9: {  	[tilespmem:v40+s24+$0x0] =	vst.idx.msk $0xffff, v44;
	vm6 =	vmand vm12, vm13;
	vm7 =	vmneg vm13;
	vm12 =	vmor vm14, vm11  }
0x2ea: {  	[tilespmem:v45+s24+$0x0] =	vst.idx.msk $0xffff, v52;
	vm5 =	vmand vm14, vm11;
	vm2 =	vmneg vm14;
	vm14 =	vmor vm0, vm15  }
0x2eb: {  	s0 =	sadd.s32 $0x8, s0;
	[tilespmem:v46+s24+$0x0] =	vst.idx.msk $0xffff, v53;
	vm3 =	vmand vm0, vm10;
	vm13 =	vmor vm7, vm2;
	vm2 =	vmand vm7, vm2  }
0x2ec: {  	p0 =	slt.u32 s0, $0xF8;
	[tilespmem:v48+s24+$0x0] =	vst.idx.msk $0xffff, v54;
	vm0 =	vmand vm0, vm15;
	vm3 =	vmor vm6, vm3;
	vm6 =	vmand vm15, vm12  }
.Ltmp6:
0x2ed: {  	[tilespmem:v51+s24+$0x0] =	vst.idx.msk $0xffff, v55;
	vm5 =	vmor vm5, vm6;
	vm6 =	vmand vm9, vm13;
	v60 =	vsel vm3, $0x3F800000, v5;
	(pc) =	sbr.rel @p0 .LBB2_14-.Ltmp6, $4  }
0x2ee: {  	vm15 =	vmand vm9, vm14;
	vm2 =	vmor vm2, vm6;
	[tilespmem:v56+s24+$0x0] =	vst.idx.msk $0xffff, v60;
	v61 =	vsel vm5, $0x3F800000, v5  }
0x2ef: {  	vm0 =	vmor vm0, vm15;
	[tilespmem:v57+s24+$0x0] =	vst.idx.msk $0xffff, v61;
	v62 =	vsel vm2, $0x3F800000, v5  }
0x2f0: {  	v9 =	vadd.s32 $0x200, v9;
	v63 =	vsel vm0, $0x0, v6;
	[tilespmem:v58+s24+$0x0] =	vst.idx.msk $0xffff, v62  }
0x2f1: {  	v10 =	vadd.s32 $0x200, v10;
	v8 =	vadd.s32 $0x200, v8;
	v11 =	vadd.s32 $0x200, v11;
	s2 =	sadd.s32 $0x200, s2;
	[tilespmem:v59+s24+$0x0] =	vst.idx.msk $0xffff, v63  }
0x2f2: {  	[hbm4b:s16+s4] =	stream.linear.scatter [tilespmem:s24], [sflag:$0x4], $0x4000, $0x38;
	[tilespmem:$0x10080] =	vst v63  }
0x2f3: {  	s28 =	sadd.s32 $0x1, s28  }
0x2f4: {  	_ =	swait.ge [sflag:s25], $0x4000;
	p0 =	sne.s32 s28, s17  }
.Ltmp7:
0x2f5: {  	[sflag:s25] =	ssyncset.done $0x0;
	(pc) =	sbr.rel @p0 .LBB2_1-.Ltmp7, $4  }
0x2f6: {  	[sflag:s25] =	ssyncadd.s32 $0xFFFFC000  }
0x2f7: {  	_ =	swait.ge [sflag:s26], $0x4000  }
0x2f8: {  	[sflag:s26] =	ssyncset.done $0x0  }
0x2f9: {  	[sflag:s26] =	ssyncadd.s32 $0xFFFFC000  }
0x2fa: {  	_ =	sfence.sel $0x180000  }
0x2fb: {  	[bflag:$0x0] =	sbarrier.arrive $0xFFFF  }
0x2fc: {  	_ =	strace $0x90000047  }
0x2fd: {  	s0 =	stileid.u32;
	[bflag:$0x2] =	sbarrier.arrive $0xFFFF  }
0x2fe: {  	p0 =	sne.s32 s0, $0x0;
	s0 =	rddreg [dreg:$0x3]  }
0x2ff: {  	s0 =	sadd.s32 @!p0 $0x100000, s0  }
0x300: {  	[sflag:s0] =	ssyncadd.tile.s32 @!p0 $0x1;
	_ =	shalt  }
.Lfunc_end2:
_tile_overlayer_lowered:
.L_overlay_start_2:
0x301: {  	(tag) =	ssettag $0x2  }
0x302: {  	s0 =	rddreg [dreg:$0x0];
	s2 =	stileid.u32  }
0x303: {  	s1 =	rddreg [dreg:$0x1];
	p0 =	sne.s32 s2, $0x0  }
0x304: {  	s3 =	rddreg [dreg:$0x2];
	[bflag:$0x3] =	sbarrier.arrive $0xFFFF;
	s2 =	simm.s32 @!p0 $0x1C05  }
0x305: {  	[timem:s3], [sflag:s2] =	dma.local @!p0 [hbm:s0], s1  }
0x306: {  	s0 =	simm.s32 @!p0 $0x5  }
0x307: {  	_ =	swait.ge @!p0 [sflag:s0], s1  }
0x308: {  	s1 =	ssub.s32 @!p0 $0x0, s1;
	[sflag:s0] =	ssyncset.done @!p0 $0x0  }
0x309: {  	[sflag:s0] =	ssyncadd.s32 @!p0 s1  }
0x30a: {  	[bflag:$0x3] =	sbarrier.arrive $0xFFFF  }
0x30b: {  	_ =	shalt  }

</sc_bundles>
